<compile_context>
chip_gen: v7x
topology: tpu7x:2x2x1
jax: 0.10.2.dev20260603
libtpu: 0.0.44.dev20260713+nightly
codegen_flags: <defaults>
</compile_context>

<pallas_src>
import jax
import jax.numpy as jnp
from jax import lax
from jax.experimental import pallas as pl
from jax.experimental.pallas import tpu as pltpu
from jax.experimental.pallas import tpu_sc as plsc

B = 1024
F = 26
C = 1000
D = F * C
CH = 40
CPF = C // CH
MAGIC = -(-(1 << 20) // CPF)
NCHUNK = D // CH
NC = 2
NS = 16
NW = NC * NS
L = 16


def _onehot_body(in_hbm, out_hbm, idx_v, buf0, buf1, sem0, sem1):
    wid = lax.axis_index("s") * NC + lax.axis_index("c")

    idx_copy = pltpu.async_copy(in_hbm, idx_v, sem0)

    zvec = jnp.zeros((L,), jnp.float32)
    UNR = 8

    def zero_buf(buf):
        def zrow(r, carry):
            def zcol(c, carry2):
                for k in range(UNR):
                    off = pl.multiple_of((c * UNR + k) * L, L)
                    buf[r, pl.ds(off, L)] = zvec
                return carry2
            lax.fori_loop(0, B // (L * UNR), zcol, 0)
            return carry
        lax.fori_loop(0, CH, zrow, 0)

    iota = lax.iota(jnp.int32, L)
    ones = jnp.ones((L,), jnp.float32)

    s = (NCHUNK * wid) >> 5
    e = (NCHUNK * (wid + 1)) >> 5

    def sweep(m, buf, val):
        j = (m * MAGIC) >> 20
        c0 = (m - CPF * j) * CH

        def body(i, carry):
            off = pl.multiple_of(i * L, L)
            v = idx_v[j, pl.ds(off, L)]
            crel = v - c0
            mask = (crel >= 0) & (crel < CH)
            crel_c = jnp.minimum(jnp.maximum(crel, 0), CH - 1)
            rvec = iota + i * L
            plsc.store_scatter(buf, [crel_c, rvec], val, mask=mask)
            return carry

        lax.fori_loop(0, B // L, body, 0)

    def row0_of(m):
        j = (m * MAGIC) >> 20
        c0 = (m - CPF * j) * CH
        return j * C + c0

    bufs = (buf0, buf1)
    sems = (sem0, sem1)
    nmin = NCHUNK // NW

    def start_dma(m, buf, sem):
        pltpu.async_copy(buf, out_hbm.at[pl.ds(row0_of(m), CH)], sem)

    def drain(buf, sem):
        pltpu.make_async_copy(buf, out_hbm.at[pl.ds(0, CH)], sem).wait()

    zero_buf(buf0)
    idx_copy.wait()
    sweep(s, buf0, ones)
    start_dma(s, buf0, sem0)
    zero_buf(buf1)
    sweep(s + 1, buf1, ones)
    start_dma(s + 1, buf1, sem1)

    def pair(i, carry):
        for b in (0, 1):
            m = s + 2 * i + b
            buf, sem = bufs[b], sems[b]
            drain(buf, sem)
            sweep(m - 2, buf, zvec)
            sweep(m, buf, ones)
            start_dma(m, buf, sem)
        return carry

    lax.fori_loop(1, nmin // 2, pair, 0)

    @pl.when(s + nmin < e)
    def _():
        drain(buf0, sem0)
        sweep(s + nmin - 2, buf0, zvec)
        sweep(s + nmin, buf0, ones)
        start_dma(s + nmin, buf0, sem0)

    drain(buf0, sem0)
    drain(buf1, sem1)


@jax.jit
def kernel(inputs):
    idx_t = inputs.astype(jnp.int32).T
    mesh = plsc.VectorSubcoreMesh(core_axis_name="c", subcore_axis_name="s")
    run = pl.kernel(
        _onehot_body,
        out_type=jax.ShapeDtypeStruct((D, B), jnp.float32),
        mesh=mesh,
        compiler_params=pltpu.CompilerParams(
            needs_layout_passes=False, use_tc_tiling_on_sc=True),
        scratch_types=[
            pltpu.VMEM((F, B), jnp.int32),
            pltpu.VMEM((CH, B), jnp.float32),
            pltpu.VMEM((CH, B), jnp.float32),
            pltpu.SemaphoreType.DMA,
            pltpu.SemaphoreType.DMA,
        ],
    )
    return run(idx_t).T

# --- scband reference (transcript-rebuilt; emitter-appended) ---
"""Pipeline reference for scband-one-hot-encoding-19516331393333 (READ-ONLY COPY).

The authoritative reference and input builder live on the scoring server;
editing this copy changes nothing except your own understanding.
"""

import jax, jax.numpy as jnp
import numpy as np

CARDINALITIES = [1000] * 26

def setup_inputs(seed: int = 0) -> dict:
    key = jax.random.key(seed)
    inputs = jax.random.randint(key, (1024, 26), 0, 1000, dtype=jnp.int64 if jax.config.jax_enable_x64 else jnp.int32)
    return {"inputs": inputs}

def reference(inputs) -> jnp.ndarray:
    # Faithful translation of OneHotEncoding.call
    inputs_int = inputs.astype(jnp.int32)
    outputs = []
    for i, cardinality in enumerate(CARDINALITIES):
        cat_feature = inputs_int[:, i]
        one_hot = jax.nn.one_hot(cat_feature, cardinality, dtype=jnp.float32)
        outputs.append(one_hot)
    return jnp.concatenate(outputs, axis=-1)

if __name__ == "__main__":
    import jax
    _d = setup_inputs()
    print(jax.jit(kernel)(*tuple(_d.values())))

</pallas_src>

<mosaic_0001>
#map = affine_map<(d0, d1) -> (0, 0)>
module attributes {stable_mosaic.version = 14 : i64} {
  func.func @_onehot_body(%arg0: i32, %arg1: i32, %arg2: memref<26x1024xi32, #tpu.memory_space<hbm>>, %arg3: memref<26000x1024xf32, #tpu.memory_space<hbm>>, %arg4: memref<26x1024xi32, #tpu.memory_space<vmem>>, %arg5: memref<40x1024xf32, #tpu.memory_space<vmem>>, %arg6: memref<40x1024xf32, #tpu.memory_space<vmem>>, %arg7: memref<!tpu.dma_semaphore, #tpu.memory_space<semaphore_mem>>, %arg8: memref<!tpu.dma_semaphore, #tpu.memory_space<semaphore_mem>>) attributes {dimension_semantics = [#tpu.dimension_semantics<core_parallel>, #tpu.dimension_semantics<subcore_parallel>], iteration_bounds = array<i64: 2, 16>, scalar_prefetch = 0 : i64, scratch_operands = 5 : i64, tpu.core_type = #tpu.core_type<sc_vector_subcore>, window_params = [{transform_indices = #map}, {transform_indices = #map}]} {
    %mul3A = arith.constant 2 : i32
    %mul3A_0 = arith.muli %arg1, %mul3A : i32
    %add3A = arith.addi %mul3A_0, %arg0 : i32
    tpu.enqueue_dma source(%arg2 : memref<26x1024xi32, #tpu.memory_space<hbm>>) target(%arg4 : memref<26x1024xi32, #tpu.memory_space<vmem>>) target_semaphore(%arg7 : memref<!tpu.dma_semaphore, #tpu.memory_space<semaphore_mem>>)
    %broadcast_in_dim3A = arith.constant 0.000000e+00 : f32
    %broadcast_in_dim3A_1 = vector.broadcast %broadcast_in_dim3A : f32 to vector<16xf32>
    %iota3A = tpu.iota {dimensions = array<i32: 0>} : vector<16xi32>
    %broadcast_in_dim3A_2 = arith.constant 1.000000e+00 : f32
    %broadcast_in_dim3A_3 = vector.broadcast %broadcast_in_dim3A_2 : f32 to vector<16xf32>
    %mul3A_4 = arith.constant 650 : i32
    %mul3A_5 = arith.muli %mul3A_4, %add3A : i32
    %shift_right_arithmetic3A = arith.constant 5 : i32
    %shift_right_arithmetic3A_6 = arith.shrsi %mul3A_5, %shift_right_arithmetic3A : i32
    %add3A_7 = arith.constant 1 : i32
    %add3A_8 = arith.addi %add3A, %add3A_7 : i32
    %mul3A_9 = arith.constant 650 : i32
    %mul3A_10 = arith.muli %mul3A_9, %add3A_8 : i32
    %shift_right_arithmetic3A_11 = arith.constant 5 : i32
    %shift_right_arithmetic3A_12 = arith.shrsi %mul3A_10, %shift_right_arithmetic3A_11 : i32
    %scan3A = arith.constant 0 : i32
    %scan3A_13 = arith.constant 0 : i32
    %scan3A_14 = arith.constant 40 : i32
    %scan3A_15 = arith.addi %scan3A_13, %scan3A_14 : i32
    %scan3A_16 = arith.constant 1 : i32
    scf.for %scan3A_108 = %scan3A_13 to %scan3A_15 step %scan3A_16  : i32 {
      %scan3A_109 = arith.constant 0 : i32
      %scan3A_110 = arith.constant 0 : i32
      %scan3A_111 = arith.constant 8 : i32
      %scan3A_112 = arith.addi %scan3A_110, %scan3A_111 : i32
      %scan3A_113 = arith.constant 1 : i32
      scf.for %scan3A_115 = %scan3A_110 to %scan3A_112 step %scan3A_113  : i32 {
        %mul3A_116 = arith.constant 8 : i32
        %mul3A_117 = arith.muli %scan3A_115, %mul3A_116 : i32
        %add3A_118 = arith.constant 0 : i32
        %add3A_119 = arith.addi %mul3A_117, %add3A_118 : i32
        %mul3A_120 = arith.constant 16 : i32
        %mul3A_121 = arith.muli %add3A_119, %mul3A_120 : i32
        %multiple_of3A = tpu.assume_multiple %mul3A_121, 16 : i32
        %swap3A = arith.index_cast %scan3A_108 : i32 to index
        %swap3A_122 = arith.index_cast %multiple_of3A : i32 to index
        %swap3A_123 = tpu.vector_load %arg5[%swap3A, %swap3A_122] {strides = array<i32>} : memref<40x1024xf32, #tpu.memory_space<vmem>>, vector<16xf32>,
        tpu.vector_store %arg5[%swap3A, %swap3A_122], %broadcast_in_dim3A_1 {strides = array<i32>} : memref<40x1024xf32, #tpu.memory_space<vmem>>, vector<16xf32>,
        %mul3A_124 = arith.constant 8 : i32
        %mul3A_125 = arith.muli %scan3A_115, %mul3A_124 : i32
        %add3A_126 = arith.constant 1 : i32
        %add3A_127 = arith.addi %mul3A_125, %add3A_126 : i32
        %mul3A_128 = arith.constant 16 : i32
        %mul3A_129 = arith.muli %add3A_127, %mul3A_128 : i32
        %multiple_of3A_130 = tpu.assume_multiple %mul3A_129, 16 : i32
        %swap3A_131 = arith.index_cast %scan3A_108 : i32 to index
        %swap3A_132 = arith.index_cast %multiple_of3A_130 : i32 to index
        %swap3A_133 = tpu.vector_load %arg5[%swap3A_131, %swap3A_132] {strides = array<i32>} : memref<40x1024xf32, #tpu.memory_space<vmem>>, vector<16xf32>,
        tpu.vector_store %arg5[%swap3A_131, %swap3A_132], %broadcast_in_dim3A_1 {strides = array<i32>} : memref<40x1024xf32, #tpu.memory_space<vmem>>, vector<16xf32>,
        %mul3A_134 = arith.constant 8 : i32
        %mul3A_135 = arith.muli %scan3A_115, %mul3A_134 : i32
        %add3A_136 = arith.constant 2 : i32
        %add3A_137 = arith.addi %mul3A_135, %add3A_136 : i32
        %mul3A_138 = arith.constant 16 : i32
        %mul3A_139 = arith.muli %add3A_137, %mul3A_138 : i32
        %multiple_of3A_140 = tpu.assume_multiple %mul3A_139, 16 : i32
        %swap3A_141 = arith.index_cast %scan3A_108 : i32 to index
        %swap3A_142 = arith.index_cast %multiple_of3A_140 : i32 to index
        %swap3A_143 = tpu.vector_load %arg5[%swap3A_141, %swap3A_142] {strides = array<i32>} : memref<40x1024xf32, #tpu.memory_space<vmem>>, vector<16xf32>,
        tpu.vector_store %arg5[%swap3A_141, %swap3A_142], %broadcast_in_dim3A_1 {strides = array<i32>} : memref<40x1024xf32, #tpu.memory_space<vmem>>, vector<16xf32>,
        %mul3A_144 = arith.constant 8 : i32
        %mul3A_145 = arith.muli %scan3A_115, %mul3A_144 : i32
        %add3A_146 = arith.constant 3 : i32
        %add3A_147 = arith.addi %mul3A_145, %add3A_146 : i32
        %mul3A_148 = arith.constant 16 : i32
        %mul3A_149 = arith.muli %add3A_147, %mul3A_148 : i32
        %multiple_of3A_150 = tpu.assume_multiple %mul3A_149, 16 : i32
        %swap3A_151 = arith.index_cast %scan3A_108 : i32 to index
        %swap3A_152 = arith.index_cast %multiple_of3A_150 : i32 to index
        %swap3A_153 = tpu.vector_load %arg5[%swap3A_151, %swap3A_152] {strides = array<i32>} : memref<40x1024xf32, #tpu.memory_space<vmem>>, vector<16xf32>,
        tpu.vector_store %arg5[%swap3A_151, %swap3A_152], %broadcast_in_dim3A_1 {strides = array<i32>} : memref<40x1024xf32, #tpu.memory_space<vmem>>, vector<16xf32>,
        %mul3A_154 = arith.constant 8 : i32
        %mul3A_155 = arith.muli %scan3A_115, %mul3A_154 : i32
        %add3A_156 = arith.constant 4 : i32
        %add3A_157 = arith.addi %mul3A_155, %add3A_156 : i32
        %mul3A_158 = arith.constant 16 : i32
        %mul3A_159 = arith.muli %add3A_157, %mul3A_158 : i32
        %multiple_of3A_160 = tpu.assume_multiple %mul3A_159, 16 : i32
        %swap3A_161 = arith.index_cast %scan3A_108 : i32 to index
        %swap3A_162 = arith.index_cast %multiple_of3A_160 : i32 to index
        %swap3A_163 = tpu.vector_load %arg5[%swap3A_161, %swap3A_162] {strides = array<i32>} : memref<40x1024xf32, #tpu.memory_space<vmem>>, vector<16xf32>,
        tpu.vector_store %arg5[%swap3A_161, %swap3A_162], %broadcast_in_dim3A_1 {strides = array<i32>} : memref<40x1024xf32, #tpu.memory_space<vmem>>, vector<16xf32>,
        %mul3A_164 = arith.constant 8 : i32
        %mul3A_165 = arith.muli %scan3A_115, %mul3A_164 : i32
        %add3A_166 = arith.constant 5 : i32
        %add3A_167 = arith.addi %mul3A_165, %add3A_166 : i32
        %mul3A_168 = arith.constant 16 : i32
        %mul3A_169 = arith.muli %add3A_167, %mul3A_168 : i32
        %multiple_of3A_170 = tpu.assume_multiple %mul3A_169, 16 : i32
        %swap3A_171 = arith.index_cast %scan3A_108 : i32 to index
        %swap3A_172 = arith.index_cast %multiple_of3A_170 : i32 to index
        %swap3A_173 = tpu.vector_load %arg5[%swap3A_171, %swap3A_172] {strides = array<i32>} : memref<40x1024xf32, #tpu.memory_space<vmem>>, vector<16xf32>,
        tpu.vector_store %arg5[%swap3A_171, %swap3A_172], %broadcast_in_dim3A_1 {strides = array<i32>} : memref<40x1024xf32, #tpu.memory_space<vmem>>, vector<16xf32>,
        %mul3A_174 = arith.constant 8 : i32
        %mul3A_175 = arith.muli %scan3A_115, %mul3A_174 : i32
        %add3A_176 = arith.constant 6 : i32
        %add3A_177 = arith.addi %mul3A_175, %add3A_176 : i32
        %mul3A_178 = arith.constant 16 : i32
        %mul3A_179 = arith.muli %add3A_177, %mul3A_178 : i32
        %multiple_of3A_180 = tpu.assume_multiple %mul3A_179, 16 : i32
        %swap3A_181 = arith.index_cast %scan3A_108 : i32 to index
        %swap3A_182 = arith.index_cast %multiple_of3A_180 : i32 to index
        %swap3A_183 = tpu.vector_load %arg5[%swap3A_181, %swap3A_182] {strides = array<i32>} : memref<40x1024xf32, #tpu.memory_space<vmem>>, vector<16xf32>,
        tpu.vector_store %arg5[%swap3A_181, %swap3A_182], %broadcast_in_dim3A_1 {strides = array<i32>} : memref<40x1024xf32, #tpu.memory_space<vmem>>, vector<16xf32>,
        %mul3A_184 = arith.constant 8 : i32
        %mul3A_185 = arith.muli %scan3A_115, %mul3A_184 : i32
        %add3A_186 = arith.constant 7 : i32
        %add3A_187 = arith.addi %mul3A_185, %add3A_186 : i32
        %mul3A_188 = arith.constant 16 : i32
        %mul3A_189 = arith.muli %add3A_187, %mul3A_188 : i32
        %multiple_of3A_190 = tpu.assume_multiple %mul3A_189, 16 : i32
        %swap3A_191 = arith.index_cast %scan3A_108 : i32 to index
        %swap3A_192 = arith.index_cast %multiple_of3A_190 : i32 to index
        %swap3A_193 = tpu.vector_load %arg5[%swap3A_191, %swap3A_192] {strides = array<i32>} : memref<40x1024xf32, #tpu.memory_space<vmem>>, vector<16xf32>,
        tpu.vector_store %arg5[%swap3A_191, %swap3A_192], %broadcast_in_dim3A_1 {strides = array<i32>} : memref<40x1024xf32, #tpu.memory_space<vmem>>, vector<16xf32>,
      }
      %scan3A_114 = arith.constant 8 : i32
    }
    %scan3A_17 = arith.constant 40 : i32
    tpu.wait_dma2 semaphore(%arg7 : memref<!tpu.dma_semaphore, #tpu.memory_space<semaphore_mem>>) src(%arg2 : memref<26x1024xi32, #tpu.memory_space<hbm>>) dst(%arg4 : memref<26x1024xi32, #tpu.memory_space<vmem>>)
    %mul3A_18 = arith.constant 41944 : i32
    %mul3A_19 = arith.muli %shift_right_arithmetic3A_6, %mul3A_18 : i32
    %shift_right_arithmetic3A_20 = arith.constant 20 : i32
    %shift_right_arithmetic3A_21 = arith.shrsi %mul3A_19, %shift_right_arithmetic3A_20 : i32
    %mul3A_22 = arith.constant 25 : i32
    %mul3A_23 = arith.muli %mul3A_22, %shift_right_arithmetic3A_21 : i32
    %sub3A = arith.subi %shift_right_arithmetic3A_6, %mul3A_23 : i32
    %mul3A_24 = arith.constant 40 : i32
    %mul3A_25 = arith.muli %sub3A, %mul3A_24 : i32
    %scan3A_26 = arith.constant 0 : i32
    %scan3A_27 = arith.constant 0 : i32
    %scan3A_28 = arith.constant 64 : i32
    %scan3A_29 = arith.addi %scan3A_27, %scan3A_28 : i32
    %scan3A_30 = arith.constant 1 : i32
    scf.for %scan3A_108 = %scan3A_27 to %scan3A_29 step %scan3A_30  : i32 {
      %mul3A_109 = arith.constant 16 : i32
      %mul3A_110 = arith.muli %scan3A_108, %mul3A_109 : i32
      %multiple_of3A = tpu.assume_multiple %mul3A_110, 16 : i32
      %get3A = arith.index_cast %shift_right_arithmetic3A_21 : i32 to index
      %get3A_111 = arith.index_cast %multiple_of3A : i32 to index
      %get3A_112 = tpu.vector_load %arg4[%get3A, %get3A_111] {strides = array<i32>} : memref<26x1024xi32, #tpu.memory_space<vmem>>, vector<16xi32>,
      %sub3A_113 = vector.broadcast %mul3A_25 : i32 to vector<16xi32>
      %sub3A_114 = arith.subi %get3A_112, %sub3A_113 : vector<16xi32>
      %ge3A = arith.constant 0 : i32
      %ge3A_115 = vector.broadcast %ge3A : i32 to vector<16xi32>
      %ge3A_116 = arith.cmpi sge, %sub3A_114, %ge3A_115 : vector<16xi32>
      %lt3A_117 = arith.constant 40 : i32
      %lt3A_118 = vector.broadcast %lt3A_117 : i32 to vector<16xi32>
      %lt3A_119 = arith.cmpi slt, %sub3A_114, %lt3A_118 : vector<16xi32>
      %and3A = arith.andi %ge3A_116, %lt3A_119 : vector<16xi1>
      %max3A = arith.constant 0 : i32
      %max3A_120 = vector.broadcast %max3A : i32 to vector<16xi32>
      %max3A_121 = arith.maxsi %sub3A_114, %max3A_120 : vector<16xi32>
      %min3A = arith.constant 39 : i32
      %min3A_122 = vector.broadcast %min3A : i32 to vector<16xi32>
      %min3A_123 = arith.minsi %max3A_121, %min3A_122 : vector<16xi32>
      %mul3A_124 = arith.constant 16 : i32
      %mul3A_125 = arith.muli %scan3A_108, %mul3A_124 : i32
      %add3A_126 = vector.broadcast %mul3A_125 : i32 to vector<16xi32>
      %add3A_127 = arith.addi %iota3A, %add3A_126 : vector<16xi32>
      tpu.vector_store_idx %arg5[%min3A_123, %add3A_127], %broadcast_in_dim3A_3 masked %and3A : memref<40x1024xf32, #tpu.memory_space<vmem>>[vector<16xi32>, vector<16xi32>], vector<16xf32>, vector<16xi1>
    }
    %scan3A_31 = arith.constant 64 : i32
    %mul3A_32 = arith.constant 41944 : i32
    %mul3A_33 = arith.muli %shift_right_arithmetic3A_6, %mul3A_32 : i32
    %shift_right_arithmetic3A_34 = arith.constant 20 : i32
    %shift_right_arithmetic3A_35 = arith.shrsi %mul3A_33, %shift_right_arithmetic3A_34 : i32
    %mul3A_36 = arith.constant 25 : i32
    %mul3A_37 = arith.muli %mul3A_36, %shift_right_arithmetic3A_35 : i32
    %sub3A_38 = arith.subi %shift_right_arithmetic3A_6, %mul3A_37 : i32
    %mul3A_39 = arith.constant 40 : i32
    %mul3A_40 = arith.muli %sub3A_38, %mul3A_39 : i32
    %mul3A_41 = arith.constant 1000 : i32
    %mul3A_42 = arith.muli %shift_right_arithmetic3A_35, %mul3A_41 : i32
    %add3A_43 = arith.addi %mul3A_42, %mul3A_40 : i32
    %dma_start3A = arith.constant 0 : i32
    %dma_start3A_44 = tpu.memref_slice %arg3[%add3A_43, %dma_start3A] : memref<26000x1024xf32, #tpu.memory_space<hbm>> -> memref<40x1024xf32, #tpu.memory_space<hbm>>
    %dma_start3A_45 = arith.constant 0 : i32
    %dma_start3A_46 = tpu.memref_slice %arg3[%add3A_43, %dma_start3A_45] : memref<26000x1024xf32, #tpu.memory_space<hbm>> -> memref<40x1024xf32, #tpu.memory_space<hbm>>
    tpu.enqueue_dma source(%arg5 : memref<40x1024xf32, #tpu.memory_space<vmem>>) target(%dma_start3A_46 : memref<40x1024xf32, #tpu.memory_space<hbm>>) target_semaphore(%arg7 : memref<!tpu.dma_semaphore, #tpu.memory_space<semaphore_mem>>)
    %scan3A_47 = arith.constant 0 : i32
    %scan3A_48 = arith.constant 0 : i32
    %scan3A_49 = arith.constant 40 : i32
    %scan3A_50 = arith.addi %scan3A_48, %scan3A_49 : i32
    %scan3A_51 = arith.constant 1 : i32
    scf.for %scan3A_108 = %scan3A_48 to %scan3A_50 step %scan3A_51  : i32 {
      %scan3A_109 = arith.constant 0 : i32
      %scan3A_110 = arith.constant 0 : i32
      %scan3A_111 = arith.constant 8 : i32
      %scan3A_112 = arith.addi %scan3A_110, %scan3A_111 : i32
      %scan3A_113 = arith.constant 1 : i32
      scf.for %scan3A_115 = %scan3A_110 to %scan3A_112 step %scan3A_113  : i32 {
        %mul3A_116 = arith.constant 8 : i32
        %mul3A_117 = arith.muli %scan3A_115, %mul3A_116 : i32
        %add3A_118 = arith.constant 0 : i32
        %add3A_119 = arith.addi %mul3A_117, %add3A_118 : i32
        %mul3A_120 = arith.constant 16 : i32
        %mul3A_121 = arith.muli %add3A_119, %mul3A_120 : i32
        %multiple_of3A = tpu.assume_multiple %mul3A_121, 16 : i32
        %swap3A = arith.index_cast %scan3A_108 : i32 to index
        %swap3A_122 = arith.index_cast %multiple_of3A : i32 to index
        %swap3A_123 = tpu.vector_load %arg6[%swap3A, %swap3A_122] {strides = array<i32>} : memref<40x1024xf32, #tpu.memory_space<vmem>>, vector<16xf32>,
        tpu.vector_store %arg6[%swap3A, %swap3A_122], %broadcast_in_dim3A_1 {strides = array<i32>} : memref<40x1024xf32, #tpu.memory_space<vmem>>, vector<16xf32>,
        %mul3A_124 = arith.constant 8 : i32
        %mul3A_125 = arith.muli %scan3A_115, %mul3A_124 : i32
        %add3A_126 = arith.constant 1 : i32
        %add3A_127 = arith.addi %mul3A_125, %add3A_126 : i32
        %mul3A_128 = arith.constant 16 : i32
        %mul3A_129 = arith.muli %add3A_127, %mul3A_128 : i32
        %multiple_of3A_130 = tpu.assume_multiple %mul3A_129, 16 : i32
        %swap3A_131 = arith.index_cast %scan3A_108 : i32 to index
        %swap3A_132 = arith.index_cast %multiple_of3A_130 : i32 to index
        %swap3A_133 = tpu.vector_load %arg6[%swap3A_131, %swap3A_132] {strides = array<i32>} : memref<40x1024xf32, #tpu.memory_space<vmem>>, vector<16xf32>,
        tpu.vector_store %arg6[%swap3A_131, %swap3A_132], %broadcast_in_dim3A_1 {strides = array<i32>} : memref<40x1024xf32, #tpu.memory_space<vmem>>, vector<16xf32>,
        %mul3A_134 = arith.constant 8 : i32
        %mul3A_135 = arith.muli %scan3A_115, %mul3A_134 : i32
        %add3A_136 = arith.constant 2 : i32
        %add3A_137 = arith.addi %mul3A_135, %add3A_136 : i32
        %mul3A_138 = arith.constant 16 : i32
        %mul3A_139 = arith.muli %add3A_137, %mul3A_138 : i32
        %multiple_of3A_140 = tpu.assume_multiple %mul3A_139, 16 : i32
        %swap3A_141 = arith.index_cast %scan3A_108 : i32 to index
        %swap3A_142 = arith.index_cast %multiple_of3A_140 : i32 to index
        %swap3A_143 = tpu.vector_load %arg6[%swap3A_141, %swap3A_142] {strides = array<i32>} : memref<40x1024xf32, #tpu.memory_space<vmem>>, vector<16xf32>,
        tpu.vector_store %arg6[%swap3A_141, %swap3A_142], %broadcast_in_dim3A_1 {strides = array<i32>} : memref<40x1024xf32, #tpu.memory_space<vmem>>, vector<16xf32>,
        %mul3A_144 = arith.constant 8 : i32
        %mul3A_145 = arith.muli %scan3A_115, %mul3A_144 : i32
        %add3A_146 = arith.constant 3 : i32
        %add3A_147 = arith.addi %mul3A_145, %add3A_146 : i32
        %mul3A_148 = arith.constant 16 : i32
        %mul3A_149 = arith.muli %add3A_147, %mul3A_148 : i32
        %multiple_of3A_150 = tpu.assume_multiple %mul3A_149, 16 : i32
        %swap3A_151 = arith.index_cast %scan3A_108 : i32 to index
        %swap3A_152 = arith.index_cast %multiple_of3A_150 : i32 to index
        %swap3A_153 = tpu.vector_load %arg6[%swap3A_151, %swap3A_152] {strides = array<i32>} : memref<40x1024xf32, #tpu.memory_space<vmem>>, vector<16xf32>,
        tpu.vector_store %arg6[%swap3A_151, %swap3A_152], %broadcast_in_dim3A_1 {strides = array<i32>} : memref<40x1024xf32, #tpu.memory_space<vmem>>, vector<16xf32>,
        %mul3A_154 = arith.constant 8 : i32
        %mul3A_155 = arith.muli %scan3A_115, %mul3A_154 : i32
        %add3A_156 = arith.constant 4 : i32
        %add3A_157 = arith.addi %mul3A_155, %add3A_156 : i32
        %mul3A_158 = arith.constant 16 : i32
        %mul3A_159 = arith.muli %add3A_157, %mul3A_158 : i32
        %multiple_of3A_160 = tpu.assume_multiple %mul3A_159, 16 : i32
        %swap3A_161 = arith.index_cast %scan3A_108 : i32 to index
        %swap3A_162 = arith.index_cast %multiple_of3A_160 : i32 to index
        %swap3A_163 = tpu.vector_load %arg6[%swap3A_161, %swap3A_162] {strides = array<i32>} : memref<40x1024xf32, #tpu.memory_space<vmem>>, vector<16xf32>,
        tpu.vector_store %arg6[%swap3A_161, %swap3A_162], %broadcast_in_dim3A_1 {strides = array<i32>} : memref<40x1024xf32, #tpu.memory_space<vmem>>, vector<16xf32>,
        %mul3A_164 = arith.constant 8 : i32
        %mul3A_165 = arith.muli %scan3A_115, %mul3A_164 : i32
        %add3A_166 = arith.constant 5 : i32
        %add3A_167 = arith.addi %mul3A_165, %add3A_166 : i32
        %mul3A_168 = arith.constant 16 : i32
        %mul3A_169 = arith.muli %add3A_167, %mul3A_168 : i32
        %multiple_of3A_170 = tpu.assume_multiple %mul3A_169, 16 : i32
        %swap3A_171 = arith.index_cast %scan3A_108 : i32 to index
        %swap3A_172 = arith.index_cast %multiple_of3A_170 : i32 to index
        %swap3A_173 = tpu.vector_load %arg6[%swap3A_171, %swap3A_172] {strides = array<i32>} : memref<40x1024xf32, #tpu.memory_space<vmem>>, vector<16xf32>,
        tpu.vector_store %arg6[%swap3A_171, %swap3A_172], %broadcast_in_dim3A_1 {strides = array<i32>} : memref<40x1024xf32, #tpu.memory_space<vmem>>, vector<16xf32>,
        %mul3A_174 = arith.constant 8 : i32
        %mul3A_175 = arith.muli %scan3A_115, %mul3A_174 : i32
        %add3A_176 = arith.constant 6 : i32
        %add3A_177 = arith.addi %mul3A_175, %add3A_176 : i32
        %mul3A_178 = arith.constant 16 : i32
        %mul3A_179 = arith.muli %add3A_177, %mul3A_178 : i32
        %multiple_of3A_180 = tpu.assume_multiple %mul3A_179, 16 : i32
        %swap3A_181 = arith.index_cast %scan3A_108 : i32 to index
        %swap3A_182 = arith.index_cast %multiple_of3A_180 : i32 to index
        %swap3A_183 = tpu.vector_load %arg6[%swap3A_181, %swap3A_182] {strides = array<i32>} : memref<40x1024xf32, #tpu.memory_space<vmem>>, vector<16xf32>,
        tpu.vector_store %arg6[%swap3A_181, %swap3A_182], %broadcast_in_dim3A_1 {strides = array<i32>} : memref<40x1024xf32, #tpu.memory_space<vmem>>, vector<16xf32>,
        %mul3A_184 = arith.constant 8 : i32
        %mul3A_185 = arith.muli %scan3A_115, %mul3A_184 : i32
        %add3A_186 = arith.constant 7 : i32
        %add3A_187 = arith.addi %mul3A_185, %add3A_186 : i32
        %mul3A_188 = arith.constant 16 : i32
        %mul3A_189 = arith.muli %add3A_187, %mul3A_188 : i32
        %multiple_of3A_190 = tpu.assume_multiple %mul3A_189, 16 : i32
        %swap3A_191 = arith.index_cast %scan3A_108 : i32 to index
        %swap3A_192 = arith.index_cast %multiple_of3A_190 : i32 to index
        %swap3A_193 = tpu.vector_load %arg6[%swap3A_191, %swap3A_192] {strides = array<i32>} : memref<40x1024xf32, #tpu.memory_space<vmem>>, vector<16xf32>,
        tpu.vector_store %arg6[%swap3A_191, %swap3A_192], %broadcast_in_dim3A_1 {strides = array<i32>} : memref<40x1024xf32, #tpu.memory_space<vmem>>, vector<16xf32>,
      }
      %scan3A_114 = arith.constant 8 : i32
    }
    %scan3A_52 = arith.constant 40 : i32
    %add3A_53 = arith.constant 1 : i32
    %add3A_54 = arith.addi %shift_right_arithmetic3A_6, %add3A_53 : i32
    %mul3A_55 = arith.constant 41944 : i32
    %mul3A_56 = arith.muli %add3A_54, %mul3A_55 : i32
    %shift_right_arithmetic3A_57 = arith.constant 20 : i32
    %shift_right_arithmetic3A_58 = arith.shrsi %mul3A_56, %shift_right_arithmetic3A_57 : i32
    %mul3A_59 = arith.constant 25 : i32
    %mul3A_60 = arith.muli %mul3A_59, %shift_right_arithmetic3A_58 : i32
    %sub3A_61 = arith.subi %add3A_54, %mul3A_60 : i32
    %mul3A_62 = arith.constant 40 : i32
    %mul3A_63 = arith.muli %sub3A_61, %mul3A_62 : i32
    %scan3A_64 = arith.constant 0 : i32
    %scan3A_65 = arith.constant 0 : i32
    %scan3A_66 = arith.constant 64 : i32
    %scan3A_67 = arith.addi %scan3A_65, %scan3A_66 : i32
    %scan3A_68 = arith.constant 1 : i32
    scf.for %scan3A_108 = %scan3A_65 to %scan3A_67 step %scan3A_68  : i32 {
      %mul3A_109 = arith.constant 16 : i32
      %mul3A_110 = arith.muli %scan3A_108, %mul3A_109 : i32
      %multiple_of3A = tpu.assume_multiple %mul3A_110, 16 : i32
      %get3A = arith.index_cast %shift_right_arithmetic3A_58 : i32 to index
      %get3A_111 = arith.index_cast %multiple_of3A : i32 to index
      %get3A_112 = tpu.vector_load %arg4[%get3A, %get3A_111] {strides = array<i32>} : memref<26x1024xi32, #tpu.memory_space<vmem>>, vector<16xi32>,
      %sub3A_113 = vector.broadcast %mul3A_63 : i32 to vector<16xi32>
      %sub3A_114 = arith.subi %get3A_112, %sub3A_113 : vector<16xi32>
      %ge3A = arith.constant 0 : i32
      %ge3A_115 = vector.broadcast %ge3A : i32 to vector<16xi32>
      %ge3A_116 = arith.cmpi sge, %sub3A_114, %ge3A_115 : vector<16xi32>
      %lt3A_117 = arith.constant 40 : i32
      %lt3A_118 = vector.broadcast %lt3A_117 : i32 to vector<16xi32>
      %lt3A_119 = arith.cmpi slt, %sub3A_114, %lt3A_118 : vector<16xi32>
      %and3A = arith.andi %ge3A_116, %lt3A_119 : vector<16xi1>
      %max3A = arith.constant 0 : i32
      %max3A_120 = vector.broadcast %max3A : i32 to vector<16xi32>
      %max3A_121 = arith.maxsi %sub3A_114, %max3A_120 : vector<16xi32>
      %min3A = arith.constant 39 : i32
      %min3A_122 = vector.broadcast %min3A : i32 to vector<16xi32>
      %min3A_123 = arith.minsi %max3A_121, %min3A_122 : vector<16xi32>
      %mul3A_124 = arith.constant 16 : i32
      %mul3A_125 = arith.muli %scan3A_108, %mul3A_124 : i32
      %add3A_126 = vector.broadcast %mul3A_125 : i32 to vector<16xi32>
      %add3A_127 = arith.addi %iota3A, %add3A_126 : vector<16xi32>
      tpu.vector_store_idx %arg6[%min3A_123, %add3A_127], %broadcast_in_dim3A_3 masked %and3A : memref<40x1024xf32, #tpu.memory_space<vmem>>[vector<16xi32>, vector<16xi32>], vector<16xf32>, vector<16xi1>
    }
    %scan3A_69 = arith.constant 64 : i32
    %add3A_70 = arith.constant 1 : i32
    %add3A_71 = arith.addi %shift_right_arithmetic3A_6, %add3A_70 : i32
    %mul3A_72 = arith.constant 41944 : i32
    %mul3A_73 = arith.muli %add3A_71, %mul3A_72 : i32
    %shift_right_arithmetic3A_74 = arith.constant 20 : i32
    %shift_right_arithmetic3A_75 = arith.shrsi %mul3A_73, %shift_right_arithmetic3A_74 : i32
    %mul3A_76 = arith.constant 25 : i32
    %mul3A_77 = arith.muli %mul3A_76, %shift_right_arithmetic3A_75 : i32
    %sub3A_78 = arith.subi %add3A_71, %mul3A_77 : i32
    %mul3A_79 = arith.constant 40 : i32
    %mul3A_80 = arith.muli %sub3A_78, %mul3A_79 : i32
    %mul3A_81 = arith.constant 1000 : i32
    %mul3A_82 = arith.muli %shift_right_arithmetic3A_75, %mul3A_81 : i32
    %add3A_83 = arith.addi %mul3A_82, %mul3A_80 : i32
    %dma_start3A_84 = arith.constant 0 : i32
    %dma_start3A_85 = tpu.memref_slice %arg3[%add3A_83, %dma_start3A_84] : memref<26000x1024xf32, #tpu.memory_space<hbm>> -> memref<40x1024xf32, #tpu.memory_space<hbm>>
    %dma_start3A_86 = arith.constant 0 : i32
    %dma_start3A_87 = tpu.memref_slice %arg3[%add3A_83, %dma_start3A_86] : memref<26000x1024xf32, #tpu.memory_space<hbm>> -> memref<40x1024xf32, #tpu.memory_space<hbm>>
    tpu.enqueue_dma source(%arg6 : memref<40x1024xf32, #tpu.memory_space<vmem>>) target(%dma_start3A_87 : memref<40x1024xf32, #tpu.memory_space<hbm>>) target_semaphore(%arg8 : memref<!tpu.dma_semaphore, #tpu.memory_space<semaphore_mem>>)
    %scan3A_88 = arith.constant 0 : i32
    %scan3A_89 = arith.constant 1 : i32
    %scan3A_90 = arith.constant 9 : i32
    %scan3A_91 = arith.addi %scan3A_89, %scan3A_90 : i32
    %scan3A_92 = arith.constant 1 : i32
    scf.for %scan3A_108 = %scan3A_89 to %scan3A_91 step %scan3A_92  : i32 {
      %mul3A_109 = arith.constant 2 : i32
      %mul3A_110 = arith.muli %mul3A_109, %scan3A_108 : i32
      %add3A_111 = arith.addi %shift_right_arithmetic3A_6, %mul3A_110 : i32
      %add3A_112 = arith.constant 0 : i32
      %add3A_113 = arith.addi %add3A_111, %add3A_112 : i32
      %dma_wait3A_114 = arith.constant 0 : i32
      %dma_wait3A_115 = arith.constant 0 : i32
      %dma_wait3A_116 = tpu.memref_slice %arg3[%dma_wait3A_114, %dma_wait3A_115] : memref<26000x1024xf32, #tpu.memory_space<hbm>> -> memref<40x1024xf32, #tpu.memory_space<hbm>>
      %dma_wait3A_117 = arith.constant 0 : i32
      %dma_wait3A_118 = arith.constant 0 : i32
      %dma_wait3A_119 = tpu.memref_slice %arg3[%dma_wait3A_117, %dma_wait3A_118] : memref<26000x1024xf32, #tpu.memory_space<hbm>> -> memref<40x1024xf32, #tpu.memory_space<hbm>>
      tpu.wait_dma2 semaphore(%arg7 : memref<!tpu.dma_semaphore, #tpu.memory_space<semaphore_mem>>) src(%arg5 : memref<40x1024xf32, #tpu.memory_space<vmem>>) dst(%dma_wait3A_119 : memref<40x1024xf32, #tpu.memory_space<hbm>>)
      %sub3A_120 = arith.constant 2 : i32
      %sub3A_121 = arith.subi %add3A_113, %sub3A_120 : i32
      %mul3A_122 = arith.constant 41944 : i32
      %mul3A_123 = arith.muli %sub3A_121, %mul3A_122 : i32
      %shift_right_arithmetic3A_124 = arith.constant 20 : i32
      %shift_right_arithmetic3A_125 = arith.shrsi %mul3A_123, %shift_right_arithmetic3A_124 : i32
      %mul3A_126 = arith.constant 25 : i32
      %mul3A_127 = arith.muli %mul3A_126, %shift_right_arithmetic3A_125 : i32
      %sub3A_128 = arith.subi %sub3A_121, %mul3A_127 : i32
      %mul3A_129 = arith.constant 40 : i32
      %mul3A_130 = arith.muli %sub3A_128, %mul3A_129 : i32
      %scan3A_131 = arith.constant 0 : i32
      %scan3A_132 = arith.constant 0 : i32
      %scan3A_133 = arith.constant 64 : i32
      %scan3A_134 = arith.addi %scan3A_132, %scan3A_133 : i32
      %scan3A_135 = arith.constant 1 : i32
      scf.for %scan3A_227 = %scan3A_132 to %scan3A_134 step %scan3A_135  : i32 {
        %mul3A_228 = arith.constant 16 : i32
        %mul3A_229 = arith.muli %scan3A_227, %mul3A_228 : i32
        %multiple_of3A = tpu.assume_multiple %mul3A_229, 16 : i32
        %get3A = arith.index_cast %shift_right_arithmetic3A_125 : i32 to index
        %get3A_230 = arith.index_cast %multiple_of3A : i32 to index
        %get3A_231 = tpu.vector_load %arg4[%get3A, %get3A_230] {strides = array<i32>} : memref<26x1024xi32, #tpu.memory_space<vmem>>, vector<16xi32>,
        %sub3A_232 = vector.broadcast %mul3A_130 : i32 to vector<16xi32>
        %sub3A_233 = arith.subi %get3A_231, %sub3A_232 : vector<16xi32>
        %ge3A = arith.constant 0 : i32
        %ge3A_234 = vector.broadcast %ge3A : i32 to vector<16xi32>
        %ge3A_235 = arith.cmpi sge, %sub3A_233, %ge3A_234 : vector<16xi32>
        %lt3A_236 = arith.constant 40 : i32
        %lt3A_237 = vector.broadcast %lt3A_236 : i32 to vector<16xi32>
        %lt3A_238 = arith.cmpi slt, %sub3A_233, %lt3A_237 : vector<16xi32>
        %and3A = arith.andi %ge3A_235, %lt3A_238 : vector<16xi1>
        %max3A = arith.constant 0 : i32
        %max3A_239 = vector.broadcast %max3A : i32 to vector<16xi32>
        %max3A_240 = arith.maxsi %sub3A_233, %max3A_239 : vector<16xi32>
        %min3A = arith.constant 39 : i32
        %min3A_241 = vector.broadcast %min3A : i32 to vector<16xi32>
        %min3A_242 = arith.minsi %max3A_240, %min3A_241 : vector<16xi32>
        %mul3A_243 = arith.constant 16 : i32
        %mul3A_244 = arith.muli %scan3A_227, %mul3A_243 : i32
        %add3A_245 = vector.broadcast %mul3A_244 : i32 to vector<16xi32>
        %add3A_246 = arith.addi %iota3A, %add3A_245 : vector<16xi32>
        tpu.vector_store_idx %arg5[%min3A_242, %add3A_246], %broadcast_in_dim3A_1 masked %and3A : memref<40x1024xf32, #tpu.memory_space<vmem>>[vector<16xi32>, vector<16xi32>], vector<16xf32>, vector<16xi1>
      }
      %scan3A_136 = arith.constant 64 : i32
      %mul3A_137 = arith.constant 41944 : i32
      %mul3A_138 = arith.muli %add3A_113, %mul3A_137 : i32
      %shift_right_arithmetic3A_139 = arith.constant 20 : i32
      %shift_right_arithmetic3A_140 = arith.shrsi %mul3A_138, %shift_right_arithmetic3A_139 : i32
      %mul3A_141 = arith.constant 25 : i32
      %mul3A_142 = arith.muli %mul3A_141, %shift_right_arithmetic3A_140 : i32
      %sub3A_143 = arith.subi %add3A_113, %mul3A_142 : i32
      %mul3A_144 = arith.constant 40 : i32
      %mul3A_145 = arith.muli %sub3A_143, %mul3A_144 : i32
      %scan3A_146 = arith.constant 0 : i32
      %scan3A_147 = arith.constant 0 : i32
      %scan3A_148 = arith.constant 64 : i32
      %scan3A_149 = arith.addi %scan3A_147, %scan3A_148 : i32
      %scan3A_150 = arith.constant 1 : i32
      scf.for %scan3A_227 = %scan3A_147 to %scan3A_149 step %scan3A_150  : i32 {
        %mul3A_228 = arith.constant 16 : i32
        %mul3A_229 = arith.muli %scan3A_227, %mul3A_228 : i32
        %multiple_of3A = tpu.assume_multiple %mul3A_229, 16 : i32
        %get3A = arith.index_cast %shift_right_arithmetic3A_140 : i32 to index
        %get3A_230 = arith.index_cast %multiple_of3A : i32 to index
        %get3A_231 = tpu.vector_load %arg4[%get3A, %get3A_230] {strides = array<i32>} : memref<26x1024xi32, #tpu.memory_space<vmem>>, vector<16xi32>,
        %sub3A_232 = vector.broadcast %mul3A_145 : i32 to vector<16xi32>
        %sub3A_233 = arith.subi %get3A_231, %sub3A_232 : vector<16xi32>
        %ge3A = arith.constant 0 : i32
        %ge3A_234 = vector.broadcast %ge3A : i32 to vector<16xi32>
        %ge3A_235 = arith.cmpi sge, %sub3A_233, %ge3A_234 : vector<16xi32>
        %lt3A_236 = arith.constant 40 : i32
        %lt3A_237 = vector.broadcast %lt3A_236 : i32 to vector<16xi32>
        %lt3A_238 = arith.cmpi slt, %sub3A_233, %lt3A_237 : vector<16xi32>
        %and3A = arith.andi %ge3A_235, %lt3A_238 : vector<16xi1>
        %max3A = arith.constant 0 : i32
        %max3A_239 = vector.broadcast %max3A : i32 to vector<16xi32>
        %max3A_240 = arith.maxsi %sub3A_233, %max3A_239 : vector<16xi32>
        %min3A = arith.constant 39 : i32
        %min3A_241 = vector.broadcast %min3A : i32 to vector<16xi32>
        %min3A_242 = arith.minsi %max3A_240, %min3A_241 : vector<16xi32>
        %mul3A_243 = arith.constant 16 : i32
        %mul3A_244 = arith.muli %scan3A_227, %mul3A_243 : i32
        %add3A_245 = vector.broadcast %mul3A_244 : i32 to vector<16xi32>
        %add3A_246 = arith.addi %iota3A, %add3A_245 : vector<16xi32>
        tpu.vector_store_idx %arg5[%min3A_242, %add3A_246], %broadcast_in_dim3A_3 masked %and3A : memref<40x1024xf32, #tpu.memory_space<vmem>>[vector<16xi32>, vector<16xi32>], vector<16xf32>, vector<16xi1>
      }
      %scan3A_151 = arith.constant 64 : i32
      %mul3A_152 = arith.constant 41944 : i32
      %mul3A_153 = arith.muli %add3A_113, %mul3A_152 : i32
      %shift_right_arithmetic3A_154 = arith.constant 20 : i32
      %shift_right_arithmetic3A_155 = arith.shrsi %mul3A_153, %shift_right_arithmetic3A_154 : i32
      %mul3A_156 = arith.constant 25 : i32
      %mul3A_157 = arith.muli %mul3A_156, %shift_right_arithmetic3A_155 : i32
      %sub3A_158 = arith.subi %add3A_113, %mul3A_157 : i32
      %mul3A_159 = arith.constant 40 : i32
      %mul3A_160 = arith.muli %sub3A_158, %mul3A_159 : i32
      %mul3A_161 = arith.constant 1000 : i32
      %mul3A_162 = arith.muli %shift_right_arithmetic3A_155, %mul3A_161 : i32
      %add3A_163 = arith.addi %mul3A_162, %mul3A_160 : i32
      %dma_start3A_164 = arith.constant 0 : i32
      %dma_start3A_165 = tpu.memref_slice %arg3[%add3A_163, %dma_start3A_164] : memref<26000x1024xf32, #tpu.memory_space<hbm>> -> memref<40x1024xf32, #tpu.memory_space<hbm>>
      %dma_start3A_166 = arith.constant 0 : i32
      %dma_start3A_167 = tpu.memref_slice %arg3[%add3A_163, %dma_start3A_166] : memref<26000x1024xf32, #tpu.memory_space<hbm>> -> memref<40x1024xf32, #tpu.memory_space<hbm>>
      tpu.enqueue_dma source(%arg5 : memref<40x1024xf32, #tpu.memory_space<vmem>>) target(%dma_start3A_167 : memref<40x1024xf32, #tpu.memory_space<hbm>>) target_semaphore(%arg7 : memref<!tpu.dma_semaphore, #tpu.memory_space<semaphore_mem>>)
      %mul3A_168 = arith.constant 2 : i32
      %mul3A_169 = arith.muli %mul3A_168, %scan3A_108 : i32
      %add3A_170 = arith.addi %shift_right_arithmetic3A_6, %mul3A_169 : i32
      %add3A_171 = arith.constant 1 : i32
      %add3A_172 = arith.addi %add3A_170, %add3A_171 : i32
      %dma_wait3A_173 = arith.constant 0 : i32
      %dma_wait3A_174 = arith.constant 0 : i32
      %dma_wait3A_175 = tpu.memref_slice %arg3[%dma_wait3A_173, %dma_wait3A_174] : memref<26000x1024xf32, #tpu.memory_space<hbm>> -> memref<40x1024xf32, #tpu.memory_space<hbm>>
      %dma_wait3A_176 = arith.constant 0 : i32
      %dma_wait3A_177 = arith.constant 0 : i32
      %dma_wait3A_178 = tpu.memref_slice %arg3[%dma_wait3A_176, %dma_wait3A_177] : memref<26000x1024xf32, #tpu.memory_space<hbm>> -> memref<40x1024xf32, #tpu.memory_space<hbm>>
      tpu.wait_dma2 semaphore(%arg8 : memref<!tpu.dma_semaphore, #tpu.memory_space<semaphore_mem>>) src(%arg6 : memref<40x1024xf32, #tpu.memory_space<vmem>>) dst(%dma_wait3A_178 : memref<40x1024xf32, #tpu.memory_space<hbm>>)
      %sub3A_179 = arith.constant 2 : i32
      %sub3A_180 = arith.subi %add3A_172, %sub3A_179 : i32
      %mul3A_181 = arith.constant 41944 : i32
      %mul3A_182 = arith.muli %sub3A_180, %mul3A_181 : i32
      %shift_right_arithmetic3A_183 = arith.constant 20 : i32
      %shift_right_arithmetic3A_184 = arith.shrsi %mul3A_182, %shift_right_arithmetic3A_183 : i32
      %mul3A_185 = arith.constant 25 : i32
      %mul3A_186 = arith.muli %mul3A_185, %shift_right_arithmetic3A_184 : i32
      %sub3A_187 = arith.subi %sub3A_180, %mul3A_186 : i32
      %mul3A_188 = arith.constant 40 : i32
      %mul3A_189 = arith.muli %sub3A_187, %mul3A_188 : i32
      %scan3A_190 = arith.constant 0 : i32
      %scan3A_191 = arith.constant 0 : i32
      %scan3A_192 = arith.constant 64 : i32
      %scan3A_193 = arith.addi %scan3A_191, %scan3A_192 : i32
      %scan3A_194 = arith.constant 1 : i32
      scf.for %scan3A_227 = %scan3A_191 to %scan3A_193 step %scan3A_194  : i32 {
        %mul3A_228 = arith.constant 16 : i32
        %mul3A_229 = arith.muli %scan3A_227, %mul3A_228 : i32
        %multiple_of3A = tpu.assume_multiple %mul3A_229, 16 : i32
        %get3A = arith.index_cast %shift_right_arithmetic3A_184 : i32 to index
        %get3A_230 = arith.index_cast %multiple_of3A : i32 to index
        %get3A_231 = tpu.vector_load %arg4[%get3A, %get3A_230] {strides = array<i32>} : memref<26x1024xi32, #tpu.memory_space<vmem>>, vector<16xi32>,
        %sub3A_232 = vector.broadcast %mul3A_189 : i32 to vector<16xi32>
        %sub3A_233 = arith.subi %get3A_231, %sub3A_232 : vector<16xi32>
        %ge3A = arith.constant 0 : i32
        %ge3A_234 = vector.broadcast %ge3A : i32 to vector<16xi32>
        %ge3A_235 = arith.cmpi sge, %sub3A_233, %ge3A_234 : vector<16xi32>
        %lt3A_236 = arith.constant 40 : i32
        %lt3A_237 = vector.broadcast %lt3A_236 : i32 to vector<16xi32>
        %lt3A_238 = arith.cmpi slt, %sub3A_233, %lt3A_237 : vector<16xi32>
        %and3A = arith.andi %ge3A_235, %lt3A_238 : vector<16xi1>
        %max3A = arith.constant 0 : i32
        %max3A_239 = vector.broadcast %max3A : i32 to vector<16xi32>
        %max3A_240 = arith.maxsi %sub3A_233, %max3A_239 : vector<16xi32>
        %min3A = arith.constant 39 : i32
        %min3A_241 = vector.broadcast %min3A : i32 to vector<16xi32>
        %min3A_242 = arith.minsi %max3A_240, %min3A_241 : vector<16xi32>
        %mul3A_243 = arith.constant 16 : i32
        %mul3A_244 = arith.muli %scan3A_227, %mul3A_243 : i32
        %add3A_245 = vector.broadcast %mul3A_244 : i32 to vector<16xi32>
        %add3A_246 = arith.addi %iota3A, %add3A_245 : vector<16xi32>
        tpu.vector_store_idx %arg6[%min3A_242, %add3A_246], %broadcast_in_dim3A_1 masked %and3A : memref<40x1024xf32, #tpu.memory_space<vmem>>[vector<16xi32>, vector<16xi32>], vector<16xf32>, vector<16xi1>
      }
      %scan3A_195 = arith.constant 64 : i32
      %mul3A_196 = arith.constant 41944 : i32
      %mul3A_197 = arith.muli %add3A_172, %mul3A_196 : i32
      %shift_right_arithmetic3A_198 = arith.constant 20 : i32
      %shift_right_arithmetic3A_199 = arith.shrsi %mul3A_197, %shift_right_arithmetic3A_198 : i32
      %mul3A_200 = arith.constant 25 : i32
      %mul3A_201 = arith.muli %mul3A_200, %shift_right_arithmetic3A_199 : i32
      %sub3A_202 = arith.subi %add3A_172, %mul3A_201 : i32
      %mul3A_203 = arith.constant 40 : i32
      %mul3A_204 = arith.muli %sub3A_202, %mul3A_203 : i32
      %scan3A_205 = arith.constant 0 : i32
      %scan3A_206 = arith.constant 0 : i32
      %scan3A_207 = arith.constant 64 : i32
      %scan3A_208 = arith.addi %scan3A_206, %scan3A_207 : i32
      %scan3A_209 = arith.constant 1 : i32
      scf.for %scan3A_227 = %scan3A_206 to %scan3A_208 step %scan3A_209  : i32 {
        %mul3A_228 = arith.constant 16 : i32
        %mul3A_229 = arith.muli %scan3A_227, %mul3A_228 : i32
        %multiple_of3A = tpu.assume_multiple %mul3A_229, 16 : i32
        %get3A = arith.index_cast %shift_right_arithmetic3A_199 : i32 to index
        %get3A_230 = arith.index_cast %multiple_of3A : i32 to index
        %get3A_231 = tpu.vector_load %arg4[%get3A, %get3A_230] {strides = array<i32>} : memref<26x1024xi32, #tpu.memory_space<vmem>>, vector<16xi32>,
        %sub3A_232 = vector.broadcast %mul3A_204 : i32 to vector<16xi32>
        %sub3A_233 = arith.subi %get3A_231, %sub3A_232 : vector<16xi32>
        %ge3A = arith.constant 0 : i32
        %ge3A_234 = vector.broadcast %ge3A : i32 to vector<16xi32>
        %ge3A_235 = arith.cmpi sge, %sub3A_233, %ge3A_234 : vector<16xi32>
        %lt3A_236 = arith.constant 40 : i32
        %lt3A_237 = vector.broadcast %lt3A_236 : i32 to vector<16xi32>
        %lt3A_238 = arith.cmpi slt, %sub3A_233, %lt3A_237 : vector<16xi32>
        %and3A = arith.andi %ge3A_235, %lt3A_238 : vector<16xi1>
        %max3A = arith.constant 0 : i32
        %max3A_239 = vector.broadcast %max3A : i32 to vector<16xi32>
        %max3A_240 = arith.maxsi %sub3A_233, %max3A_239 : vector<16xi32>
        %min3A = arith.constant 39 : i32
        %min3A_241 = vector.broadcast %min3A : i32 to vector<16xi32>
        %min3A_242 = arith.minsi %max3A_240, %min3A_241 : vector<16xi32>
        %mul3A_243 = arith.constant 16 : i32
        %mul3A_244 = arith.muli %scan3A_227, %mul3A_243 : i32
        %add3A_245 = vector.broadcast %mul3A_244 : i32 to vector<16xi32>
        %add3A_246 = arith.addi %iota3A, %add3A_245 : vector<16xi32>
        tpu.vector_store_idx %arg6[%min3A_242, %add3A_246], %broadcast_in_dim3A_3 masked %and3A : memref<40x1024xf32, #tpu.memory_space<vmem>>[vector<16xi32>, vector<16xi32>], vector<16xf32>, vector<16xi1>
      }
      %scan3A_210 = arith.constant 64 : i32
      %mul3A_211 = arith.constant 41944 : i32
      %mul3A_212 = arith.muli %add3A_172, %mul3A_211 : i32
      %shift_right_arithmetic3A_213 = arith.constant 20 : i32
      %shift_right_arithmetic3A_214 = arith.shrsi %mul3A_212, %shift_right_arithmetic3A_213 : i32
      %mul3A_215 = arith.constant 25 : i32
      %mul3A_216 = arith.muli %mul3A_215, %shift_right_arithmetic3A_214 : i32
      %sub3A_217 = arith.subi %add3A_172, %mul3A_216 : i32
      %mul3A_218 = arith.constant 40 : i32
      %mul3A_219 = arith.muli %sub3A_217, %mul3A_218 : i32
      %mul3A_220 = arith.constant 1000 : i32
      %mul3A_221 = arith.muli %shift_right_arithmetic3A_214, %mul3A_220 : i32
      %add3A_222 = arith.addi %mul3A_221, %mul3A_219 : i32
      %dma_start3A_223 = arith.constant 0 : i32
      %dma_start3A_224 = tpu.memref_slice %arg3[%add3A_222, %dma_start3A_223] : memref<26000x1024xf32, #tpu.memory_space<hbm>> -> memref<40x1024xf32, #tpu.memory_space<hbm>>
      %dma_start3A_225 = arith.constant 0 : i32
      %dma_start3A_226 = tpu.memref_slice %arg3[%add3A_222, %dma_start3A_225] : memref<26000x1024xf32, #tpu.memory_space<hbm>> -> memref<40x1024xf32, #tpu.memory_space<hbm>>
      tpu.enqueue_dma source(%arg6 : memref<40x1024xf32, #tpu.memory_space<vmem>>) target(%dma_start3A_226 : memref<40x1024xf32, #tpu.memory_space<hbm>>) target_semaphore(%arg8 : memref<!tpu.dma_semaphore, #tpu.memory_space<semaphore_mem>>)
    }
    %scan3A_93 = arith.constant 9 : i32
    %add3A_94 = arith.constant 20 : i32
    %add3A_95 = arith.addi %shift_right_arithmetic3A_6, %add3A_94 : i32
    %lt3A = arith.cmpi slt, %add3A_95, %shift_right_arithmetic3A_12 : i32
    %convert_element_type3A = arith.extui %lt3A : i1 to i32
    %cond3A = arith.constant 0 : i32
    %cond3A_96 = arith.cmpi ne, %convert_element_type3A, %cond3A : i32
    scf.if %cond3A_96 {
      %dma_wait3A_108 = arith.constant 0 : i32
      %dma_wait3A_109 = arith.constant 0 : i32
      %dma_wait3A_110 = tpu.memref_slice %arg3[%dma_wait3A_108, %dma_wait3A_109] : memref<26000x1024xf32, #tpu.memory_space<hbm>> -> memref<40x1024xf32, #tpu.memory_space<hbm>>
      %dma_wait3A_111 = arith.constant 0 : i32
      %dma_wait3A_112 = arith.constant 0 : i32
      %dma_wait3A_113 = tpu.memref_slice %arg3[%dma_wait3A_111, %dma_wait3A_112] : memref<26000x1024xf32, #tpu.memory_space<hbm>> -> memref<40x1024xf32, #tpu.memory_space<hbm>>
      tpu.wait_dma2 semaphore(%arg7 : memref<!tpu.dma_semaphore, #tpu.memory_space<semaphore_mem>>) src(%arg5 : memref<40x1024xf32, #tpu.memory_space<vmem>>) dst(%dma_wait3A_113 : memref<40x1024xf32, #tpu.memory_space<hbm>>)
      %add3A_114 = arith.constant 20 : i32
      %add3A_115 = arith.addi %shift_right_arithmetic3A_6, %add3A_114 : i32
      %sub3A_116 = arith.constant 2 : i32
      %sub3A_117 = arith.subi %add3A_115, %sub3A_116 : i32
      %mul3A_118 = arith.constant 41944 : i32
      %mul3A_119 = arith.muli %sub3A_117, %mul3A_118 : i32
      %shift_right_arithmetic3A_120 = arith.constant 20 : i32
      %shift_right_arithmetic3A_121 = arith.shrsi %mul3A_119, %shift_right_arithmetic3A_120 : i32
      %mul3A_122 = arith.constant 25 : i32
      %mul3A_123 = arith.muli %mul3A_122, %shift_right_arithmetic3A_121 : i32
      %sub3A_124 = arith.subi %sub3A_117, %mul3A_123 : i32
      %mul3A_125 = arith.constant 40 : i32
      %mul3A_126 = arith.muli %sub3A_124, %mul3A_125 : i32
      %scan3A_127 = arith.constant 0 : i32
      %scan3A_128 = arith.constant 0 : i32
      %scan3A_129 = arith.constant 64 : i32
      %scan3A_130 = arith.addi %scan3A_128, %scan3A_129 : i32
      %scan3A_131 = arith.constant 1 : i32
      scf.for %scan3A_168 = %scan3A_128 to %scan3A_130 step %scan3A_131  : i32 {
        %mul3A_169 = arith.constant 16 : i32
        %mul3A_170 = arith.muli %scan3A_168, %mul3A_169 : i32
        %multiple_of3A = tpu.assume_multiple %mul3A_170, 16 : i32
        %get3A = arith.index_cast %shift_right_arithmetic3A_121 : i32 to index
        %get3A_171 = arith.index_cast %multiple_of3A : i32 to index
        %get3A_172 = tpu.vector_load %arg4[%get3A, %get3A_171] {strides = array<i32>} : memref<26x1024xi32, #tpu.memory_space<vmem>>, vector<16xi32>,
        %sub3A_173 = vector.broadcast %mul3A_126 : i32 to vector<16xi32>
        %sub3A_174 = arith.subi %get3A_172, %sub3A_173 : vector<16xi32>
        %ge3A = arith.constant 0 : i32
        %ge3A_175 = vector.broadcast %ge3A : i32 to vector<16xi32>
        %ge3A_176 = arith.cmpi sge, %sub3A_174, %ge3A_175 : vector<16xi32>
        %lt3A_177 = arith.constant 40 : i32
        %lt3A_178 = vector.broadcast %lt3A_177 : i32 to vector<16xi32>
        %lt3A_179 = arith.cmpi slt, %sub3A_174, %lt3A_178 : vector<16xi32>
        %and3A = arith.andi %ge3A_176, %lt3A_179 : vector<16xi1>
        %max3A = arith.constant 0 : i32
        %max3A_180 = vector.broadcast %max3A : i32 to vector<16xi32>
        %max3A_181 = arith.maxsi %sub3A_174, %max3A_180 : vector<16xi32>
        %min3A = arith.constant 39 : i32
        %min3A_182 = vector.broadcast %min3A : i32 to vector<16xi32>
        %min3A_183 = arith.minsi %max3A_181, %min3A_182 : vector<16xi32>
        %mul3A_184 = arith.constant 16 : i32
        %mul3A_185 = arith.muli %scan3A_168, %mul3A_184 : i32
        %add3A_186 = vector.broadcast %mul3A_185 : i32 to vector<16xi32>
        %add3A_187 = arith.addi %iota3A, %add3A_186 : vector<16xi32>
        tpu.vector_store_idx %arg5[%min3A_183, %add3A_187], %broadcast_in_dim3A_1 masked %and3A : memref<40x1024xf32, #tpu.memory_space<vmem>>[vector<16xi32>, vector<16xi32>], vector<16xf32>, vector<16xi1>
      }
      %scan3A_132 = arith.constant 64 : i32
      %add3A_133 = arith.constant 20 : i32
      %add3A_134 = arith.addi %shift_right_arithmetic3A_6, %add3A_133 : i32
      %mul3A_135 = arith.constant 41944 : i32
      %mul3A_136 = arith.muli %add3A_134, %mul3A_135 : i32
      %shift_right_arithmetic3A_137 = arith.constant 20 : i32
      %shift_right_arithmetic3A_138 = arith.shrsi %mul3A_136, %shift_right_arithmetic3A_137 : i32
      %mul3A_139 = arith.constant 25 : i32
      %mul3A_140 = arith.muli %mul3A_139, %shift_right_arithmetic3A_138 : i32
      %sub3A_141 = arith.subi %add3A_134, %mul3A_140 : i32
      %mul3A_142 = arith.constant 40 : i32
      %mul3A_143 = arith.muli %sub3A_141, %mul3A_142 : i32
      %scan3A_144 = arith.constant 0 : i32
      %scan3A_145 = arith.constant 0 : i32
      %scan3A_146 = arith.constant 64 : i32
      %scan3A_147 = arith.addi %scan3A_145, %scan3A_146 : i32
      %scan3A_148 = arith.constant 1 : i32
      scf.for %scan3A_168 = %scan3A_145 to %scan3A_147 step %scan3A_148  : i32 {
        %mul3A_169 = arith.constant 16 : i32
        %mul3A_170 = arith.muli %scan3A_168, %mul3A_169 : i32
        %multiple_of3A = tpu.assume_multiple %mul3A_170, 16 : i32
        %get3A = arith.index_cast %shift_right_arithmetic3A_138 : i32 to index
        %get3A_171 = arith.index_cast %multiple_of3A : i32 to index
        %get3A_172 = tpu.vector_load %arg4[%get3A, %get3A_171] {strides = array<i32>} : memref<26x1024xi32, #tpu.memory_space<vmem>>, vector<16xi32>,
        %sub3A_173 = vector.broadcast %mul3A_143 : i32 to vector<16xi32>
        %sub3A_174 = arith.subi %get3A_172, %sub3A_173 : vector<16xi32>
        %ge3A = arith.constant 0 : i32
        %ge3A_175 = vector.broadcast %ge3A : i32 to vector<16xi32>
        %ge3A_176 = arith.cmpi sge, %sub3A_174, %ge3A_175 : vector<16xi32>
        %lt3A_177 = arith.constant 40 : i32
        %lt3A_178 = vector.broadcast %lt3A_177 : i32 to vector<16xi32>
        %lt3A_179 = arith.cmpi slt, %sub3A_174, %lt3A_178 : vector<16xi32>
        %and3A = arith.andi %ge3A_176, %lt3A_179 : vector<16xi1>
        %max3A = arith.constant 0 : i32
        %max3A_180 = vector.broadcast %max3A : i32 to vector<16xi32>
        %max3A_181 = arith.maxsi %sub3A_174, %max3A_180 : vector<16xi32>
        %min3A = arith.constant 39 : i32
        %min3A_182 = vector.broadcast %min3A : i32 to vector<16xi32>
        %min3A_183 = arith.minsi %max3A_181, %min3A_182 : vector<16xi32>
        %mul3A_184 = arith.constant 16 : i32
        %mul3A_185 = arith.muli %scan3A_168, %mul3A_184 : i32
        %add3A_186 = vector.broadcast %mul3A_185 : i32 to vector<16xi32>
        %add3A_187 = arith.addi %iota3A, %add3A_186 : vector<16xi32>
        tpu.vector_store_idx %arg5[%min3A_183, %add3A_187], %broadcast_in_dim3A_3 masked %and3A : memref<40x1024xf32, #tpu.memory_space<vmem>>[vector<16xi32>, vector<16xi32>], vector<16xf32>, vector<16xi1>
      }
      %scan3A_149 = arith.constant 64 : i32
      %add3A_150 = arith.constant 20 : i32
      %add3A_151 = arith.addi %shift_right_arithmetic3A_6, %add3A_150 : i32
      %mul3A_152 = arith.constant 41944 : i32
      %mul3A_153 = arith.muli %add3A_151, %mul3A_152 : i32
      %shift_right_arithmetic3A_154 = arith.constant 20 : i32
      %shift_right_arithmetic3A_155 = arith.shrsi %mul3A_153, %shift_right_arithmetic3A_154 : i32
      %mul3A_156 = arith.constant 25 : i32
      %mul3A_157 = arith.muli %mul3A_156, %shift_right_arithmetic3A_155 : i32
      %sub3A_158 = arith.subi %add3A_151, %mul3A_157 : i32
      %mul3A_159 = arith.constant 40 : i32
      %mul3A_160 = arith.muli %sub3A_158, %mul3A_159 : i32
      %mul3A_161 = arith.constant 1000 : i32
      %mul3A_162 = arith.muli %shift_right_arithmetic3A_155, %mul3A_161 : i32
      %add3A_163 = arith.addi %mul3A_162, %mul3A_160 : i32
      %dma_start3A_164 = arith.constant 0 : i32
      %dma_start3A_165 = tpu.memref_slice %arg3[%add3A_163, %dma_start3A_164] : memref<26000x1024xf32, #tpu.memory_space<hbm>> -> memref<40x1024xf32, #tpu.memory_space<hbm>>
      %dma_start3A_166 = arith.constant 0 : i32
      %dma_start3A_167 = tpu.memref_slice %arg3[%add3A_163, %dma_start3A_166] : memref<26000x1024xf32, #tpu.memory_space<hbm>> -> memref<40x1024xf32, #tpu.memory_space<hbm>>
      tpu.enqueue_dma source(%arg5 : memref<40x1024xf32, #tpu.memory_space<vmem>>) target(%dma_start3A_167 : memref<40x1024xf32, #tpu.memory_space<hbm>>) target_semaphore(%arg7 : memref<!tpu.dma_semaphore, #tpu.memory_space<semaphore_mem>>)
    } else {
    }
    %dma_wait3A = arith.constant 0 : i32
    %dma_wait3A_97 = arith.constant 0 : i32
    %dma_wait3A_98 = tpu.memref_slice %arg3[%dma_wait3A, %dma_wait3A_97] : memref<26000x1024xf32, #tpu.memory_space<hbm>> -> memref<40x1024xf32, #tpu.memory_space<hbm>>
    %dma_wait3A_99 = arith.constant 0 : i32
    %dma_wait3A_100 = arith.constant 0 : i32
    %dma_wait3A_101 = tpu.memref_slice %arg3[%dma_wait3A_99, %dma_wait3A_100] : memref<26000x1024xf32, #tpu.memory_space<hbm>> -> memref<40x1024xf32, #tpu.memory_space<hbm>>
    tpu.wait_dma2 semaphore(%arg7 : memref<!tpu.dma_semaphore, #tpu.memory_space<semaphore_mem>>) src(%arg5 : memref<40x1024xf32, #tpu.memory_space<vmem>>) dst(%dma_wait3A_101 : memref<40x1024xf32, #tpu.memory_space<hbm>>)
    %dma_wait3A_102 = arith.constant 0 : i32
    %dma_wait3A_103 = arith.constant 0 : i32
    %dma_wait3A_104 = tpu.memref_slice %arg3[%dma_wait3A_102, %dma_wait3A_103] : memref<26000x1024xf32, #tpu.memory_space<hbm>> -> memref<40x1024xf32, #tpu.memory_space<hbm>>
    %dma_wait3A_105 = arith.constant 0 : i32
    %dma_wait3A_106 = arith.constant 0 : i32
    %dma_wait3A_107 = tpu.memref_slice %arg3[%dma_wait3A_105, %dma_wait3A_106] : memref<26000x1024xf32, #tpu.memory_space<hbm>> -> memref<40x1024xf32, #tpu.memory_space<hbm>>
    tpu.wait_dma2 semaphore(%arg8 : memref<!tpu.dma_semaphore, #tpu.memory_space<semaphore_mem>>) src(%arg6 : memref<40x1024xf32, #tpu.memory_space<vmem>>) dst(%dma_wait3A_107 : memref<40x1024xf32, #tpu.memory_space<hbm>>)
    return
  }
}

</mosaic_0001>

<sc_bundles>
// kernel: kernel.3.cloned.1.call-start
scs
__scs_entry_jumppad:
0x0: {  	(pc) =	sbr.rel $0x88, $3  }
0x1: {  	(tag) =	ssettag $0x0;
	lr =	simm.s32 $0x1  }
0x2: {  	[smem:$0x3FA0] =	sst lr;
	_ =	strace $0xD0000000  }
0x3: {  	_ = 	snop  }
0x4: {  	_ = 	snop  }
0x5: {  	_ = 	snop  }
0x6: {  	_ = 	snop  }
0x7: {  	_ = 	snop  }
__scs_overlays_trampoline_lowered:
0x8: {  	[smem:$0x3FAF] =	sst s0  }
0x9: {  	[smem:$0x3FB0] =	sst s1  }
0xa: {  	[smem:$0x3FB1] =	sst s2  }
0xb: {  	[smem:$0x3FB2] =	sst s3  }
0xc: {  	[smem:$0x3FB3] =	sst s4  }
0xd: {  	[smem:$0x3FB4] =	sst s5  }
0xe: {  	[smem:$0x3FB5] =	sst s6  }
0xf: {  	[smem:$0x3FB6] =	sst s7  }
0x10: {  	[smem:$0x3FB7] =	sst s8  }
0x11: {  	[smem:$0x3FB8] =	sst s9;
	s0 =	simm.s32 @!p0 $0x0  }
0x12: {  	s1 =	sld [smem:$0x3F9E];
	s0 =	simm.s32 @p0 $0x1  }
0x13: {  	[smem:$0x3FB9] =	sst s0;
	s0 =	simm.s32 @!p1 $0x0  }
0x14: {  	s2 =	sld [smem:$0x3F9D];
	s0 =	simm.s32 @p1 $0x1  }
0x15: {  	[smem:$0x3FBA] =	sst s0;
	s0 =	simm.s32 @!p2 $0x0  }
0x16: {  	s3 =	sld [smem:$0x3FDB];
	s0 =	simm.s32 @p2 $0x1  }
0x17: {  	s4 =	simm.s32 $0x1BF5;
	[smem:$0x3FBC] =	sst s0  }
0x18: {  	s0 =	sld [smem:$0x3F9F];
	_ =	swait.ge [sflag:s4], $0x0  }
0x19: {  	s7 =	sld [smem:$0x3FA0]  }
0x1a: {  	s8 =	sadd.s32 $0xFFFFE003, lr  }
0x1b: {  	s9 =	sadd.s32 $0xFFFFFEF7, lr;
	s5 =	simm.s32 $0xFFFFFFFF;
	p2 =	slt.u32 s8, $0xFFFFF086  }
0x1c: {  	p1 =	slt.u32 s9, $0xF7A;
	s5 =	simm.s32 @!p2 $0x0  }
0x1d: {  	s5 =	simm.s32 @p1 $0x1;
	p0 =	seq.s32 s7, s2  }
0x1e: {  	s7 =	smul.u32 @!p0 $0xF7A, s2;
	p2 =	seq.s32 @!p0 s5, $0x0  }
0x1f: {  	s9 =	smul.u32 $0xF7A, s1;
	s8 =	simm.s32 @!p0 $0x1BF5;
	p2 =	por !p2, p0  }
0x20: {  	[sflag:s8] =	ssyncset.s32 @!p0 $0xFFFFF086;
	s6 =	sadd.s32 @!p0 s3, s7;
	s7 =	simm.s32 @!p0 $0x108  }
0x21: {  	s3 =	sadd.s32 s3, s9;
	s6 =	sadd.s32 @!p0 $0x88, s6;
	s7 =	simm.s32 @p2 $0x1082  }
0x22: {  	[simem:s7], [sflag:s8] =	dma.local @!p0 [hbm:s6], $0xF7A  }
0x23: {  	s9 =	sor.u32 $0xD0000000, s2;
	s6 =	simm.s32 $0x108;
	_ =	swait.ge @!p0 [sflag:s8], $0x0  }
0x24: {  	s3 =	sadd.s32 $0x88, s3;
	s6 =	simm.s32 @!p1 $0x1082;
	[sflag:s4] =	ssyncset.s32 $0xFFFFF086  }
0x25: {  	[simem:s6], [sflag:s4] =	dma.local [hbm:s3], $0xF7A  }
0x26: {  	[smem:$0x3FA0] =	sst s1;
	(tag) =	ssettag s2;
	_ =	strace s9  }
0x27: {  	s1 =	sld [smem:$0x3FB0]  }
0x28: {  	s2 =	sld [smem:$0x3FB1]  }
0x29: {  	s4 =	sld [smem:$0x3FB3]  }
0x2a: {  	p0 =	seq.s32 s5, $0x0;
	s5 =	sld [smem:$0x3FB4]  }
0x2b: {  	s6 =	sld [smem:$0x3FB5]  }
0x2c: {  	s7 =	sld [smem:$0x3FB6]  }
0x2d: {  	s3 =	simm.s32 $0x108;
	s8 =	sld [smem:$0x3FB7]  }
0x2e: {  	s3 =	simm.s32 @!p0 $0x1082;
	s9 =	sld [smem:$0x3FB8]  }
0x2f: {  	lr =	sadd.s32 s0, s3;
	s0 =	sld [smem:$0x3FAF]  }
0x30: {  	s3 =	sld [smem:$0x3FB2]  }
0x31: {  	[smem:$0x3FBB] =	sst s10  }
0x32: {  	s10 =	sld [smem:$0x3FB9];
	_ =	sdelay $0x3  }
0x33: {  	p0 =	seq.s32 s10, $0x1;
	s10 =	sld [smem:$0x3FBB];
	_ =	sdelay $0x3  }
0x34: {  	[smem:$0x3FBB] =	sst s10  }
0x35: {  	s10 =	sld [smem:$0x3FBA];
	_ =	sdelay $0x3  }
0x36: {  	p1 =	seq.s32 s10, $0x1;
	s10 =	sld [smem:$0x3FBB];
	_ =	sdelay $0x3  }
0x37: {  	[smem:$0x3FBB] =	sst s10  }
0x38: {  	s10 =	sld [smem:$0x3FBC]  }
0x39: {  	_ = 	snop;
	(pc) =	sbr.ind lr, $3  }
0x3a: {  	_ = 	snop  }
0x3b: {  	_ = 	snop  }
0x3c: {  	p2 =	seq.s32 s10, $0x1;
	s10 =	sld [smem:$0x3FBB]  }
0x3d: {  	_ =	shalt  }
0x3e: {  	_ =	shalt  }
0x3f: {  	_ =	shalt  }
0x40: {  	_ =	shalt  }
0x41: {  	_ =	shalt  }
0x42: {  	_ =	shalt  }
0x43: {  	_ =	shalt  }
0x44: {  	_ =	shalt  }
0x45: {  	_ =	shalt  }
0x46: {  	_ =	shalt  }
0x47: {  	_ =	shalt  }
0x48: {  	_ =	shalt  }
0x49: {  	_ =	shalt  }
0x4a: {  	_ =	shalt  }
0x4b: {  	_ =	shalt  }
0x4c: {  	_ =	shalt  }
0x4d: {  	_ =	shalt  }
0x4e: {  	_ =	shalt  }
0x4f: {  	_ =	shalt  }
0x50: {  	_ =	shalt  }
0x51: {  	_ =	shalt  }
0x52: {  	_ =	shalt  }
0x53: {  	_ =	shalt  }
0x54: {  	_ =	shalt  }
0x55: {  	_ =	shalt  }
0x56: {  	_ =	shalt  }
0x57: {  	_ =	shalt  }
0x58: {  	_ =	shalt  }
0x59: {  	_ =	shalt  }
0x5a: {  	_ =	shalt  }
0x5b: {  	_ =	shalt  }
0x5c: {  	_ =	shalt  }
0x5d: {  	_ =	shalt  }
0x5e: {  	_ =	shalt  }
0x5f: {  	_ =	shalt  }
0x60: {  	_ =	shalt  }
0x61: {  	_ =	shalt  }
0x62: {  	_ =	shalt  }
0x63: {  	_ =	shalt  }
0x64: {  	_ =	shalt  }
0x65: {  	_ =	shalt  }
0x66: {  	_ =	shalt  }
0x67: {  	_ =	shalt  }
0x68: {  	_ =	shalt  }
0x69: {  	_ =	shalt  }
0x6a: {  	_ =	shalt  }
0x6b: {  	_ =	shalt  }
0x6c: {  	_ =	shalt  }
0x6d: {  	_ =	shalt  }
0x6e: {  	_ =	shalt  }
0x6f: {  	_ =	shalt  }
0x70: {  	_ =	shalt  }
0x71: {  	_ =	shalt  }
0x72: {  	_ =	shalt  }
0x73: {  	_ =	shalt  }
0x74: {  	_ =	shalt  }
0x75: {  	_ =	shalt  }
0x76: {  	_ =	shalt  }
0x77: {  	_ =	shalt  }
0x78: {  	_ =	shalt  }
0x79: {  	_ =	shalt  }
0x7a: {  	_ =	shalt  }
0x7b: {  	_ =	shalt  }
0x7c: {  	_ =	shalt  }
0x7d: {  	_ =	shalt  }
0x7e: {  	_ =	shalt  }
0x7f: {  	_ =	shalt  }
0x80: {  	_ =	shalt  }
0x81: {  	_ =	shalt  }
0x82: {  	_ =	shalt  }
0x83: {  	_ =	shalt  }
0x84: {  	_ =	shalt  }
0x85: {  	_ =	shalt  }
0x86: {  	_ =	shalt  }
0x87: {  	_ =	shalt  }
.Lfunc_end0:
.L_simem_size_0:
called_computation_lowered:
.L_overlay_start_0:
0x88: {  	s2 =	sld [smem:$0x3FD9]  }
0x89: {  	s3 =	sld [smem:$0x3FFE];
	_ =	sdelay $0x1  }
0x8a: {  	s1 =	srdreg.scid  }
0x8b: {  	s0 =	sand.u32 $0x1, s1  }
0x8c: {  	s18 =	sshll.u32 s0, $0xA;
	s2 =	sadd.s32 s3, s2  }
0x8d: {  	s2 =	sadd.s32 s2, s18  }
0x8e: {  	[smem:$0x3FC7] =	sst s2  }
0x8f: {  	_ = 	snop  }
0x90: {  	s2 =	sld [smem:$0x3FC9]  }
0x91: {  	s19 =	sld [smem:$0x3FD0];
	(tm) =	ssettm $0x1  }
0x92: {  	s4 =	sld [smem:$0x3FFB];
	_ =	sdelay $0x3  }
0x93: {  	_ =	strace s4  }
0x94: {  	s4 =	sld [smem:$0x3FFC];
	_ =	sdelay $0x3  }
0x95: {  	_ =	strace s4  }
0x96: {  	s4 =	sld [smem:$0x3FFD];
	_ =	sdelay $0x3  }
0x97: {  	_ =	strace s4  }
0x98: {  	_ =	strace $0x8FFFFFFF  }
0x99: {  	s20 =	sld [smem:$0x3FDB];
	_ =	sdelay $0x1  }
0x9a: {  	s5 =	simm.s32 $_scs_section_size  }
0x9b: {  	s6 =	simm.s32 $_size__tile_overlayer_lowered;
	s7 =	simm.s32 $_tile_overlayer_lowered  }
0x9c: {  	s23 =	simm.s32 $0x1BFF;
	s22 =	sshll.u32 s7, $0x1;
	s4 =	sadd.s32 s5, s20  }
0x9d: {  	s8 =	simm.s32 $0x0;
	s21 =	sshll.u32 s6, $0x1;
	s6 =	sadd.s32 s22, s4  }
0x9e: {  	[timem:s8], [sflag:s23] =	dma.local [hbm:s6], s21  }
0x9f: {  	_ =	swait.ge [sflag:s23], s21  }
0xa0: {  	s5 =	ssub.s32 $0x0, s21;
	[sflag:s23] =	ssyncset.done $0x0  }
0xa1: {  	[sflag:s23] =	ssyncadd.s32 s5;
	_ =	sdelay $0x1  }
0xa2: {  	s24 =	simm.s32 $0x1B8B  }
0xa3: {  	_ =	swait.ge [sflag:s24], $0x1  }
0xa4: {  	[sflag:s24] =	ssyncset.done $0x0  }
0xa5: {  	s25 =	simm.s32 $0x1B8E;
	[sflag:s24] =	ssyncadd.s32 $0xFFFFFFFF  }
0xa6: {  	s26 =	simm.s32 $execute0_lowered;
	[smem:$0x3FD2] =	sst s25  }
0xa7: {  	s5 =	sshll.u32 s26, $0x1;
	_ =	strace $0x80000046;
	[dreg:$0x1] =	wrdreg $0xFFFFFFFF  }
0xa8: {  	s28 =	simm.s32 $_size_execute0_lowered;
	s4 =	sadd.s32 s4, s5;
	[dreg:$0x0] =	wrdreg $0x0  }
0xa9: {  	s5 =	sshll.u32 s28, $0x1;
	[dreg:$0x2] =	wrdreg s4  }
0xaa: {  	[dreg:$0x3] =	wrdreg s5  }
0xab: {  	[dreg:$0x4] =	wrdreg $0xC0  }
0xac: {  	_ =	task [dreg:s8], $0x5FFFF  }
0xad: {  	[dreg:$0x1] =	wrdreg $0xFFFFFFFF  }
0xae: {  	[dreg:$0x0] =	wrdreg $0x60  }
0xaf: {  	[dreg:$0x2] =	wrdreg s2  }
0xb0: {  	[dreg:$0x3] =	wrdreg s19  }
0xb1: {  	[dreg:$0x4] =	wrdreg $0x9  }
0xb2: {  	_ =	task.clear_ibuf [dreg:s8], $0x5FFFF;
	_ =	strace $0x90000046  }
0xb3: {  	s29 =	simm.s32 $0x9;
	_ =	strace $0x80000048  }
0xb4: {  	_ =	swait.ge [sflag:s29], $0x1  }
0xb5: {  	[sflag:s29] =	ssyncadd.s32 $0xFFFFFFFF  }
0xb6: {  	_ =	strace $0x90000048  }
0xb7: {  	_ =	sfence  }
0xb8: {  	s30 =	sld [smem:$0x0];
	_ =	sdelay $0x2  }
0xb9: {  	s31 =	sshll.u32 s1, $0xD;
	s1 =	sshrl.u32 s1, $0x2  }
0xba: {  	s3 =	sand.u32 $0x4000, s31;
	s1 =	sadd.s32 s1, s30  }
0xbb: {  	s0 =	sor.u32 s3, s0;
	s1 =	sshll.u32 s1, $0x11  }
0xbc: {  	s0 =	sor.u32 s1, s0  }
0xbd: {  	s0 =	sadd.s32 $0x8F2B, s0  }
0xbe: {  	[sflag:s0] =	ssyncadd.remote.s32 $0x1  }
0xbf: {  	_ =	sfence.sel $0xFFFF  }
0xc0: {  	[dreg:$0x0] =	wrdreg $0xFFFFFFFF;
	(pc) =	sbr.abs _section_cstart, $3  }
0xc1: {  	[dreg:$0x1] =	wrdreg $0xFFFFFFFF  }
0xc2: {  	_ =	task.clear_ibuf [dreg:s8], $0x2FFFF;
	_ =	strace $0x9FFFFFFF  }
0xc3: {  	(tm) =	ssettm $0x7FFFFFFF  }
tec
execute0_lowered:
.L_overlay_start_1:
0x0: {  	(tag) =	ssettag $0x1  }
0x1: {  	s1 =	srdreg.scid;
	s0 =	stileid.u32  }
0x2: {  	s6 =	sand.u32 $0x1, s1;
	s21 =	sshll.u32 s0, $0x1  }
0x3: {  	s1 =	sor.u32 s6, s21  }
0x4: {  	s3 =	rddreg [dreg:$0x0];
	s7 =	smul.u32 $0x28A, s1  }
0x5: {  	s4 =	rddreg [dreg:$0x1];
	s5 =	simm.s32 $0x0  }
0x6: {  	[smem:$0x7FF] =	sst s5;
	s6 =	ssub.s32 $0x2, s6;
	s2 =	sshrl.u32 s7, $0x5  }
0x7: {  	s1 =	rddreg [dreg:$0x2];
	s11 =	sshrl.u32 s6, $0x1;
	s8 =	smul.u32 $0xA3D8, s2  }
0x8: {  	_ =	strace $0x80000047;
	s13 =	ssub.s32 s6, s11;
	s7 =	sadd.s32 $0x28A, s7  }
0x9: {  	s13 =	smax.u32 s13, $0x1;
	s18 =	sshrl.u32 s7, $0x5;
	s9 =	sshrl.u32 s8, $0x14  }
0xa: {  	s23 =	sadd.s32 $0xA3D8, s8;
	s26 =	sshrl.u32 s8, $0xA;
	s12 =	sshrl.u32 s8, $0xD  }
0xb: {  	s31 =	sadd.s32 $0xB8530, s8;
	s17 =	sadd.s32 $0xCCCE0, s8;
	s10 =	smul.u32 $0xFFFFFFE7, s9  }
0xc: {  	s24 =	smul.u32 $0x3E8, s9;
	s25 =	sshrl.u32 s23, $0x14;
	s7 =	sand.u32 $0x1FE000, s26  }
0xd: {  	s12 =	sand.u32 $0x380, s12;
	s30 =	sshrl.u32 s23, $0xA;
	s14 =	smul.u32 $0xFFFFFFE7, s25  }
0xe: {  	s16 =	sshrl.u32 s31, $0x14;
	s6 =	sor.u32 s12, s7;
	s9 =	smul.u32 $0x3E8, s25  }
0xf: {  	s21 =	smul.u32 $0xFFFFFFE7, s16;
	s16 =	simm.s32 $0x12000;
	s22 =	sadd.s32 s2, s10  }
0x10: {  	s10 =	sshrl.u32 s23, $0xD;
	s11 =	smul.u32 $0x28, s22;
	s29 =	sadd.s32 s14, s2  }
0x11: {  	s14 =	sand.u32 $0x1FE000, s30;
	s20 =	sand.u32 $0x380, s10;
	s22 =	sshrl.u32 s17, $0x14  }
0x12: {  	s10 =	sadd.s32 s21, s2;
	s30 =	sshrl.u32 s17, $0xA;
	s12 =	smul.u32 $0x28, s29  }
0x13: {  	s8 =	sor.u32 s20, s14;
	s23 =	smul.u32 $0xFFFFFFE7, s22;
	s20 =	sadd.s32 $0x14, s2  }
0x14: {  	s10 =	smul.u32 $0xFFFFFFD8, s10;
	s15 =	sadd.s32 s24, s11;
	s24 =	sshrl.u32 s31, $0xA  }
0x15: {  	p0 =	sge.u32 s20, s18;
	s18 =	simm.s32 $0x0;
	s28 =	sshll.u32 s15, $0x7  }
0x16: {  	s19 =	sadd.s32 $0x28, s12;
	s12 =	sadd.s32 s20, s23;
	s15 =	sshrl.u32 s31, $0xD  }
0x17: {  	s25 =	sand.u32 $0x1FE000, s24;
	s29 =	sadd.s32 $0xFFFFFD30, s10;
	s21 =	smul.u32 $0x28, s12  }
0x18: {  	s31 =	sshrl.u32 s17, $0xD;
	s7 =	sadd.s32 s4, s28;
	s28 =	smul.u32 $0x3E8, s22  }
.Ltmp0:
0x19: {  	s17 =	simm.s32 $0x2;
	s9 =	sadd.s32 s9, s19;
	(pc) =	sbr.rel .LBB2_1-.Ltmp0, $4  }
0x1a: {  	s26 =	sand.u32 $0x380, s15;
	s12 =	sand.u32 $0x1FE000, s30;
	s14 =	sand.u32 $0x380, s31  }
0x1b: {  	v4 =	vimm.f32 $0.0e+00;
	s9 =	sshll.u32 s9, $0x7;
	s10 =	sor.u32 s26, s25;
	s15 =	sadd.s32 s28, s21  }
0x1c: {  	v5 =	vlaneseq.u32;
	v6 =	vimm.f32 $1.000000000e+00;
	v0 =	vmov s11;
	s11 =	sor.u32 s14, s12;
	s14 =	simm.s32 $0x1;
	s15 =	sshll.u32 s15, $0x7  }
0x1d: {  	v1 =	vmov s19;
	v2 =	vmov s29;
	s9 =	sadd.s32 s4, s9;
	v3 =	vmov s21;
	s12 =	sadd.s32 s4, s15;
	s15 =	simm.s32 $0x8000  }
.LBB2_25:
0x1e: {  	s18 =	sadd.s32 $0x1, s18  }
0x1f: {  	_ =	swait.ge [sflag:s14], $0xA000;
	p1 =	sne.s32 s18, s13  }
.Ltmp1:
0x20: {  	[sflag:s14] =	ssyncset.done $0x0;
	(pc) =	sbr.rel @!p1 .LBB2_26-.Ltmp1, $4  }
0x21: {  	[sflag:s14] =	ssyncadd.s32 $0xFFFF6000  }
0x22: {  	_ =	swait.ge [sflag:s17], $0xA000  }
0x23: {  	[sflag:s17] =	ssyncset.done $0x0  }
0x24: {  	[sflag:s17] =	ssyncadd.s32 $0xFFFF6000  }
.LBB2_1:
0x25: {  	[tilespmem:s5], [sflag:$0x1] =	stream.linear.gather [hbm4b:s3+s5], $0x8000, $0x38;
	[tilespmem:$0x1C000] =	vst v63  }
0x26: {  	s19 =	sand.u32 $0xE000, s5;
	s20 =	sand.u32 $0x380, s5  }
0x27: {  	s19 =	sor.u32 s20, s19  }
0x28: {  	[tilespmem:s19+$0x9C70] =	vst v4  }
0x29: {  	[tilespmem:s19+$0x8000] =	vst v4  }
0x2a: {  	[tilespmem:s19+$0x8010] =	vst v4  }
0x2b: {  	[tilespmem:s19+$0x8020] =	vst v4  }
0x2c: {  	[tilespmem:s19+$0x8030] =	vst v4  }
0x2d: {  	[tilespmem:s19+$0x8040] =	vst v4  }
0x2e: {  	[tilespmem:s19+$0x8050] =	vst v4  }
0x2f: {  	[tilespmem:s19+$0x8060] =	vst v4  }
0x30: {  	[tilespmem:s19+$0x8070] =	vst v4  }
0x31: {  	[tilespmem:s19+$0x8400] =	vst v4  }
0x32: {  	[tilespmem:s19+$0x8410] =	vst v4  }
0x33: {  	[tilespmem:s19+$0x8420] =	vst v4  }
0x34: {  	[tilespmem:s19+$0x8430] =	vst v4  }
0x35: {  	[tilespmem:s19+$0x8440] =	vst v4  }
0x36: {  	[tilespmem:s19+$0x8450] =	vst v4  }
0x37: {  	[tilespmem:s19+$0x8460] =	vst v4  }
0x38: {  	[tilespmem:s19+$0x8470] =	vst v4  }
0x39: {  	[tilespmem:s19+$0x8800] =	vst v4  }
0x3a: {  	[tilespmem:s19+$0x8810] =	vst v4  }
0x3b: {  	[tilespmem:s19+$0x8820] =	vst v4  }
0x3c: {  	[tilespmem:s19+$0x8830] =	vst v4  }
0x3d: {  	[tilespmem:s19+$0x8840] =	vst v4  }
0x3e: {  	[tilespmem:s19+$0x8850] =	vst v4  }
0x3f: {  	[tilespmem:s19+$0x8860] =	vst v4  }
0x40: {  	[tilespmem:s19+$0x8870] =	vst v4  }
0x41: {  	[tilespmem:s19+$0x8C00] =	vst v4  }
0x42: {  	[tilespmem:s19+$0x8C10] =	vst v4  }
0x43: {  	[tilespmem:s19+$0x8C20] =	vst v4  }
0x44: {  	[tilespmem:s19+$0x8C30] =	vst v4  }
0x45: {  	[tilespmem:s19+$0x8C40] =	vst v4  }
0x46: {  	[tilespmem:s19+$0x8C50] =	vst v4  }
0x47: {  	[tilespmem:s19+$0x8C60] =	vst v4  }
0x48: {  	[tilespmem:s19+$0x8C70] =	vst v4  }
0x49: {  	[tilespmem:s19+$0x9000] =	vst v4  }
0x4a: {  	[tilespmem:s19+$0x9010] =	vst v4  }
0x4b: {  	[tilespmem:s19+$0x9020] =	vst v4  }
0x4c: {  	[tilespmem:s19+$0x9030] =	vst v4  }
0x4d: {  	[tilespmem:s19+$0x9040] =	vst v4  }
0x4e: {  	[tilespmem:s19+$0x9050] =	vst v4  }
0x4f: {  	[tilespmem:s19+$0x9060] =	vst v4  }
0x50: {  	[tilespmem:s19+$0x9070] =	vst v4  }
0x51: {  	[tilespmem:s19+$0x9400] =	vst v4  }
0x52: {  	[tilespmem:s19+$0x9410] =	vst v4  }
0x53: {  	[tilespmem:s19+$0x9420] =	vst v4  }
0x54: {  	[tilespmem:s19+$0x9430] =	vst v4  }
0x55: {  	[tilespmem:s19+$0x9440] =	vst v4  }
0x56: {  	[tilespmem:s19+$0x9450] =	vst v4  }
0x57: {  	[tilespmem:s19+$0x9460] =	vst v4  }
0x58: {  	[tilespmem:s19+$0x9470] =	vst v4  }
0x59: {  	[tilespmem:s19+$0x9800] =	vst v4  }
0x5a: {  	[tilespmem:s19+$0x9810] =	vst v4  }
0x5b: {  	[tilespmem:s19+$0x9820] =	vst v4  }
0x5c: {  	[tilespmem:s19+$0x9830] =	vst v4  }
0x5d: {  	[tilespmem:s19+$0x9840] =	vst v4  }
0x5e: {  	[tilespmem:s19+$0x9850] =	vst v4  }
0x5f: {  	[tilespmem:s19+$0x9860] =	vst v4  }
0x60: {  	[tilespmem:s19+$0x9870] =	vst v4  }
0x61: {  	[tilespmem:s19+$0x9C00] =	vst v4  }
0x62: {  	[tilespmem:s19+$0x9C10] =	vst v4  }
0x63: {  	[tilespmem:s19+$0x9C20] =	vst v4  }
0x64: {  	[tilespmem:s19+$0x9C30] =	vst v4  }
0x65: {  	s21 =	simm.s32 $0x400;
	s20 =	simm.s32 $0x80;
	[tilespmem:s19+$0x9C40] =	vst v4  }
0x66: {  	s22 =	sand.u32 $0xE000, s21;
	s21 =	simm.s32 $0x800;
	s23 =	sand.u32 $0x380, s20;
	[tilespmem:s19+$0x9C50] =	vst v4  }
.LBB2_2:
0x67: {  	p1 =	sne.s32 s21, $0x9C00;
	[tilespmem:s19+$0x9C60] =	vst v4;
	s19 =	sor.u32 s23, s22  }
0x68: {  	[tilespmem:s19+$0x9C70] =	vst v4  }
0x69: {  	[tilespmem:s19+$0x8000] =	vst v4  }
0x6a: {  	[tilespmem:s19+$0x8010] =	vst v4  }
0x6b: {  	[tilespmem:s19+$0x8020] =	vst v4  }
0x6c: {  	[tilespmem:s19+$0x8030] =	vst v4  }
0x6d: {  	[tilespmem:s19+$0x8040] =	vst v4  }
0x6e: {  	[tilespmem:s19+$0x8050] =	vst v4  }
0x6f: {  	[tilespmem:s19+$0x8060] =	vst v4  }
0x70: {  	[tilespmem:s19+$0x8070] =	vst v4  }
0x71: {  	[tilespmem:s19+$0x8400] =	vst v4  }
0x72: {  	[tilespmem:s19+$0x8410] =	vst v4  }
0x73: {  	[tilespmem:s19+$0x8420] =	vst v4  }
0x74: {  	[tilespmem:s19+$0x8430] =	vst v4  }
0x75: {  	[tilespmem:s19+$0x8440] =	vst v4  }
0x76: {  	[tilespmem:s19+$0x8450] =	vst v4  }
0x77: {  	[tilespmem:s19+$0x8460] =	vst v4  }
0x78: {  	[tilespmem:s19+$0x8470] =	vst v4  }
0x79: {  	[tilespmem:s19+$0x8800] =	vst v4  }
0x7a: {  	[tilespmem:s19+$0x8810] =	vst v4  }
0x7b: {  	[tilespmem:s19+$0x8820] =	vst v4  }
0x7c: {  	[tilespmem:s19+$0x8830] =	vst v4  }
0x7d: {  	[tilespmem:s19+$0x8840] =	vst v4  }
0x7e: {  	[tilespmem:s19+$0x8850] =	vst v4  }
0x7f: {  	[tilespmem:s19+$0x8860] =	vst v4  }
0x80: {  	[tilespmem:s19+$0x8870] =	vst v4  }
0x81: {  	[tilespmem:s19+$0x8C00] =	vst v4  }
0x82: {  	[tilespmem:s19+$0x8C10] =	vst v4  }
0x83: {  	[tilespmem:s19+$0x8C20] =	vst v4  }
0x84: {  	[tilespmem:s19+$0x8C30] =	vst v4  }
0x85: {  	[tilespmem:s19+$0x8C40] =	vst v4  }
0x86: {  	[tilespmem:s19+$0x8C50] =	vst v4  }
0x87: {  	[tilespmem:s19+$0x8C60] =	vst v4  }
0x88: {  	[tilespmem:s19+$0x8C70] =	vst v4  }
0x89: {  	[tilespmem:s19+$0x9000] =	vst v4  }
0x8a: {  	[tilespmem:s19+$0x9010] =	vst v4  }
0x8b: {  	[tilespmem:s19+$0x9020] =	vst v4  }
0x8c: {  	[tilespmem:s19+$0x9030] =	vst v4  }
0x8d: {  	[tilespmem:s19+$0x9040] =	vst v4  }
0x8e: {  	[tilespmem:s19+$0x9050] =	vst v4  }
0x8f: {  	[tilespmem:s19+$0x9060] =	vst v4  }
0x90: {  	[tilespmem:s19+$0x9070] =	vst v4  }
0x91: {  	[tilespmem:s19+$0x9400] =	vst v4  }
0x92: {  	[tilespmem:s19+$0x9410] =	vst v4  }
0x93: {  	[tilespmem:s19+$0x9420] =	vst v4  }
0x94: {  	[tilespmem:s19+$0x9430] =	vst v4  }
0x95: {  	[tilespmem:s19+$0x9440] =	vst v4  }
0x96: {  	[tilespmem:s19+$0x9450] =	vst v4  }
0x97: {  	[tilespmem:s19+$0x9460] =	vst v4  }
0x98: {  	[tilespmem:s19+$0x9470] =	vst v4  }
0x99: {  	[tilespmem:s19+$0x9800] =	vst v4  }
0x9a: {  	[tilespmem:s19+$0x9810] =	vst v4  }
0x9b: {  	[tilespmem:s19+$0x9820] =	vst v4  }
0x9c: {  	[tilespmem:s19+$0x9830] =	vst v4  }
0x9d: {  	[tilespmem:s19+$0x9840] =	vst v4  }
0x9e: {  	[tilespmem:s19+$0x9850] =	vst v4  }
0x9f: {  	[tilespmem:s19+$0x9860] =	vst v4  }
0xa0: {  	[tilespmem:s19+$0x9870] =	vst v4  }
0xa1: {  	[tilespmem:s19+$0x9C00] =	vst v4  }
.Ltmp2:
0xa2: {  	[tilespmem:s19+$0x9C10] =	vst v4;
	(pc) =	sbr.rel @p1 .LBB2_2-.Ltmp2, $4  }
0xa3: {  	[tilespmem:s19+$0x9C20] =	vst v4  }
0xa4: {  	[tilespmem:s19+$0x9C30] =	vst v4  }
0xa5: {  	s20 =	sadd.s32 $0x80, s20;
	[tilespmem:s19+$0x9C40] =	vst v4  }
0xa6: {  	s22 =	sand.u32 $0xE000, s21;
	s21 =	sadd.s32 $0x400, s21;
	s23 =	sand.u32 $0x380, s20;
	[tilespmem:s19+$0x9C50] =	vst v4  }
0xa7: {  	s20 =	sor.u32 s23, s22;
	[tilespmem:s19+$0x9C60] =	vst v4  }
0xa8: {  	[tilespmem:s20+$0x9C70] =	vst v4  }
0xa9: {  	[tilespmem:s20+$0x8000] =	vst v4  }
0xaa: {  	[tilespmem:s20+$0x8010] =	vst v4  }
0xab: {  	[tilespmem:s20+$0x8020] =	vst v4  }
0xac: {  	[tilespmem:s20+$0x8030] =	vst v4  }
0xad: {  	[tilespmem:s20+$0x8040] =	vst v4  }
0xae: {  	[tilespmem:s20+$0x8050] =	vst v4  }
0xaf: {  	[tilespmem:s20+$0x8060] =	vst v4  }
0xb0: {  	[tilespmem:s20+$0x8070] =	vst v4  }
0xb1: {  	[tilespmem:s20+$0x8400] =	vst v4  }
0xb2: {  	[tilespmem:s20+$0x8410] =	vst v4  }
0xb3: {  	[tilespmem:s20+$0x8420] =	vst v4  }
0xb4: {  	[tilespmem:s20+$0x8430] =	vst v4  }
0xb5: {  	[tilespmem:s20+$0x8440] =	vst v4  }
0xb6: {  	[tilespmem:s20+$0x8450] =	vst v4  }
0xb7: {  	[tilespmem:s20+$0x8460] =	vst v4  }
0xb8: {  	[tilespmem:s20+$0x8470] =	vst v4  }
0xb9: {  	[tilespmem:s20+$0x8800] =	vst v4  }
0xba: {  	[tilespmem:s20+$0x8810] =	vst v4  }
0xbb: {  	[tilespmem:s20+$0x8820] =	vst v4  }
0xbc: {  	[tilespmem:s20+$0x8830] =	vst v4  }
0xbd: {  	[tilespmem:s20+$0x8840] =	vst v4  }
0xbe: {  	[tilespmem:s20+$0x8850] =	vst v4  }
0xbf: {  	[tilespmem:s20+$0x8860] =	vst v4  }
0xc0: {  	[tilespmem:s20+$0x8870] =	vst v4  }
0xc1: {  	[tilespmem:s20+$0x8C00] =	vst v4  }
0xc2: {  	[tilespmem:s20+$0x8C10] =	vst v4  }
0xc3: {  	[tilespmem:s20+$0x8C20] =	vst v4  }
0xc4: {  	[tilespmem:s20+$0x8C30] =	vst v4  }
0xc5: {  	[tilespmem:s20+$0x8C40] =	vst v4  }
0xc6: {  	[tilespmem:s20+$0x8C50] =	vst v4  }
0xc7: {  	[tilespmem:s20+$0x8C60] =	vst v4  }
0xc8: {  	[tilespmem:s20+$0x8C70] =	vst v4  }
0xc9: {  	[tilespmem:s20+$0x9000] =	vst v4  }
0xca: {  	[tilespmem:s20+$0x9010] =	vst v4  }
0xcb: {  	[tilespmem:s20+$0x9020] =	vst v4  }
0xcc: {  	[tilespmem:s20+$0x9030] =	vst v4  }
0xcd: {  	[tilespmem:s20+$0x9040] =	vst v4  }
0xce: {  	[tilespmem:s20+$0x9050] =	vst v4  }
0xcf: {  	[tilespmem:s20+$0x9060] =	vst v4  }
0xd0: {  	[tilespmem:s20+$0x9070] =	vst v4  }
0xd1: {  	[tilespmem:s20+$0x9400] =	vst v4  }
0xd2: {  	[tilespmem:s20+$0x9410] =	vst v4  }
0xd3: {  	[tilespmem:s20+$0x9420] =	vst v4  }
0xd4: {  	[tilespmem:s20+$0x9430] =	vst v4  }
0xd5: {  	[tilespmem:s20+$0x9440] =	vst v4  }
0xd6: {  	[tilespmem:s20+$0x9450] =	vst v4  }
0xd7: {  	[tilespmem:s20+$0x9460] =	vst v4  }
0xd8: {  	[tilespmem:s20+$0x9470] =	vst v4  }
0xd9: {  	[tilespmem:s20+$0x9800] =	vst v4  }
0xda: {  	[tilespmem:s20+$0x9810] =	vst v4  }
0xdb: {  	[tilespmem:s20+$0x9820] =	vst v4  }
0xdc: {  	[tilespmem:s20+$0x9830] =	vst v4  }
0xdd: {  	[tilespmem:s20+$0x9840] =	vst v4  }
0xde: {  	[tilespmem:s20+$0x9850] =	vst v4  }
0xdf: {  	[tilespmem:s20+$0x9860] =	vst v4  }
0xe0: {  	[tilespmem:s20+$0x9870] =	vst v4  }
0xe1: {  	[tilespmem:s20+$0x9C00] =	vst v4  }
0xe2: {  	[tilespmem:s20+$0x9C10] =	vst v4  }
0xe3: {  	[tilespmem:s20+$0x9C20] =	vst v4  }
0xe4: {  	[tilespmem:s20+$0x9C30] =	vst v4  }
0xe5: {  	[tilespmem:s20+$0x9C40] =	vst v4  }
0xe6: {  	[tilespmem:s20+$0x9C50] =	vst v4  }
0xe7: {  	s30 =	simm.s32 $0x0;
	[tilespmem:s20+$0x9C60] =	vst v4  }
0xe8: {  	s31 =	sand.u32 $0x1C00, s30;
	_ =	swait.ge [sflag:s14], $0x8000  }
0xe9: {  	s21 =	sand.u32 $0x70, s30;
	s20 =	sadd.s32 s31, s6;
	[sflag:s14] =	ssyncset.done $0x0  }
0xea: {  	s20 =	sadd.s32 s21, s20;
	[sflag:s14] =	ssyncadd.s32 $0xFFFF8000  }
0xeb: {  	v7 =	vld [tilespmem:s20+$0x0];
	_ =	sdelay $0x4  }
0xec: {  	v7 =	vsub.s32 v7, v0  }
0xed: {  	vm0 =	vgt.s32 v7, $0x0  }
0xee: {  	v9 =	vmov s30;
	v8 =	vnsel vm0, $0x0, v7  }
0xef: {  	v10 =	vor.u32 s30, v5;
	v9 =	vshll.u32 v9, $0x3;
	v8 =	vmin.u32 v8, $0x27  }
0xf0: {  	v10 =	vand.u32 $0x7F, v10;
	v9 =	vand.u32 $0x1C00, v9;
	v11 =	vshll.u32 v8, $0xA  }
0xf1: {  	v9 =	vor.u32 v9, v10;
	v8 =	vshll.u32 v8, $0x7;
	v11 =	vand.u32 $0xE000, v11  }
0xf2: {  	vm0 =	vlt.u32 v7, $0x28;
	v8 =	vand.u32 $0x380, v8;
	v9 =	vor.u32 v11, v9  }
0xf3: {  	v7 =	vor.u32 v8, v9;
	_ =	sdelay $0x1  }
0xf4: {  	s20 =	simm.s32 $0x80  }
0xf5: {  	s19 =	simm.s32 $0x10;
	s21 =	simm.s32 $0x20;
	s22 =	sand.u32 $0x1C00, s20  }
.LBB2_4:
0xf6: {  	p1 =	sne.s32 s21, $0x3F0;
	s23 =	sand.u32 $0x70, s19;
	s22 =	sadd.s32 s22, s6  }
0xf7: {  	s22 =	sadd.s32 s23, s22;
	[tilespmem:v7+s15+$0x0] =	vst.idx.msk vm0, v6  }
0xf8: {  	v7 =	vld [tilespmem:s22+$0x0];
	_ =	sdelay $0x4  }
0xf9: {  	v7 =	vsub.s32 v7, v0  }
0xfa: {  	vm0 =	vgt.s32 v7, $0x0  }
0xfb: {  	v9 =	vmov s19;
	v8 =	vnsel vm0, $0x0, v7  }
0xfc: {  	v10 =	vor.u32 s19, v5;
	s19 =	smov.u32 s21;
	v9 =	vshll.u32 v9, $0x3;
	v8 =	vmin.u32 v8, $0x27  }
0xfd: {  	v10 =	vand.u32 $0x7F, v10;
	v9 =	vand.u32 $0x1C00, v9;
	v11 =	vshll.u32 v8, $0xA  }
0xfe: {  	v9 =	vor.u32 v9, v10;
	v8 =	vshll.u32 v8, $0x7;
	v11 =	vand.u32 $0xE000, v11  }
.Ltmp3:
0xff: {  	vm0 =	vlt.u32 v7, $0x28;
	v7 =	vand.u32 $0x380, v8;
	v8 =	vor.u32 v11, v9;
	(pc) =	sbr.rel @p1 .LBB2_4-.Ltmp3, $3  }
0x100: {  	v7 =	vor.u32 v7, v8;
	_ =	sdelay $0x1  }
0x101: {  	s20 =	sadd.s32 $0x80, s20  }
0x102: {  	s21 =	sadd.s32 $0x10, s21;
	s22 =	sand.u32 $0x1C00, s20  }
0x103: {  	_ =	sdelay $0x3  }
0x104: {  	s20 =	sand.u32 $0x70, s19;
	s21 =	sadd.s32 s22, s6  }
0x105: {  	[tilespmem:v7+s15+$0x0] =	vst.idx.msk vm0, v6;
	s20 =	sadd.s32 s20, s21  }
0x106: {  	v7 =	vld [tilespmem:s20+$0x0];
	_ =	sdelay $0x4  }
0x107: {  	v7 =	vsub.s32 v7, v0  }
0x108: {  	vm14 =	vgt.s32 v7, $0x0  }
0x109: {  	v9 =	vmov s19;
	v8 =	vnsel vm14, $0x0, v7  }
0x10a: {  	v10 =	vor.u32 s19, v5;
	v9 =	vshll.u32 v9, $0x3;
	v8 =	vmin.u32 v8, $0x27  }
0x10b: {  	v10 =	vand.u32 $0x7F, v10;
	v9 =	vand.u32 $0x1C00, v9;
	v11 =	vshll.u32 v8, $0xA  }
0x10c: {  	v9 =	vor.u32 v9, v10;
	v8 =	vshll.u32 v8, $0x7;
	v11 =	vand.u32 $0xE000, v11  }
0x10d: {  	vm15 =	vlt.u32 v7, $0x28;
	v7 =	vand.u32 $0x380, v8;
	v8 =	vor.u32 v11, v9  }
0x10e: {  	v7 =	vor.u32 v7, v8;
	_ =	sdelay $0x2  }
0x10f: {  	s19 =	simm.s32 $0x0  }
0x110: {  	s29 =	sand.u32 $0xE000, s19;
	s30 =	sand.u32 $0x380, s19  }
0x111: {  	s21 =	sor.u32 s30, s29;
	[tilespmem:v7+s15+$0x0] =	vst.idx.msk vm15, v6  }
0x112: {  	[hbm4b:s7+s19] =	stream.linear.scatter [tilespmem:s15], [sflag:$0x1], $0xA000, $0x38;
	[tilespmem:$0x1C000] =	vst v63  }
0x113: {  	s20 =	sadd.s32 $0x12000, s21;
	[tilespmem:s21+$0x12000] =	vst v4  }
0x114: {  	[tilespmem:s20+$0x40] =	vst v4  }
0x115: {  	[tilespmem:s20+$0x50] =	vst v4  }
0x116: {  	[tilespmem:s20+$0x60] =	vst v4  }
0x117: {  	[tilespmem:s20+$0x70] =	vst v4  }
0x118: {  	[tilespmem:s20+$0x400] =	vst v4  }
0x119: {  	[tilespmem:s20+$0x410] =	vst v4  }
0x11a: {  	[tilespmem:s20+$0x420] =	vst v4  }
0x11b: {  	[tilespmem:s20+$0x430] =	vst v4  }
0x11c: {  	[tilespmem:s20+$0x440] =	vst v4  }
0x11d: {  	[tilespmem:s20+$0x450] =	vst v4  }
0x11e: {  	[tilespmem:s20+$0x460] =	vst v4  }
0x11f: {  	[tilespmem:s20+$0x470] =	vst v4  }
0x120: {  	[tilespmem:s20+$0x800] =	vst v4  }
0x121: {  	[tilespmem:s20+$0x810] =	vst v4  }
0x122: {  	[tilespmem:s20+$0x820] =	vst v4  }
0x123: {  	[tilespmem:s20+$0x830] =	vst v4  }
0x124: {  	[tilespmem:s20+$0x840] =	vst v4  }
0x125: {  	[tilespmem:s20+$0x850] =	vst v4  }
0x126: {  	[tilespmem:s20+$0x860] =	vst v4  }
0x127: {  	[tilespmem:s20+$0x870] =	vst v4  }
0x128: {  	[tilespmem:s20+$0xC00] =	vst v4  }
0x129: {  	[tilespmem:s20+$0xC10] =	vst v4  }
0x12a: {  	[tilespmem:s20+$0xC20] =	vst v4  }
0x12b: {  	[tilespmem:s20+$0xC30] =	vst v4  }
0x12c: {  	[tilespmem:s20+$0xC40] =	vst v4  }
0x12d: {  	[tilespmem:s20+$0xC50] =	vst v4  }
0x12e: {  	[tilespmem:s20+$0xC60] =	vst v4  }
0x12f: {  	[tilespmem:s20+$0xC70] =	vst v4  }
0x130: {  	[tilespmem:s20+$0x1000] =	vst v4  }
0x131: {  	[tilespmem:s20+$0x1010] =	vst v4  }
0x132: {  	[tilespmem:s20+$0x1020] =	vst v4  }
0x133: {  	[tilespmem:s20+$0x1030] =	vst v4  }
0x134: {  	[tilespmem:s20+$0x1040] =	vst v4  }
0x135: {  	[tilespmem:s20+$0x1050] =	vst v4  }
0x136: {  	[tilespmem:s20+$0x1060] =	vst v4  }
0x137: {  	[tilespmem:s20+$0x1070] =	vst v4  }
0x138: {  	[tilespmem:s20+$0x1400] =	vst v4  }
0x139: {  	[tilespmem:s20+$0x1410] =	vst v4  }
0x13a: {  	[tilespmem:s20+$0x1420] =	vst v4  }
0x13b: {  	[tilespmem:s20+$0x1430] =	vst v4  }
0x13c: {  	[tilespmem:s20+$0x1440] =	vst v4  }
0x13d: {  	[tilespmem:s20+$0x1450] =	vst v4  }
0x13e: {  	[tilespmem:s20+$0x1460] =	vst v4  }
0x13f: {  	[tilespmem:s20+$0x1470] =	vst v4  }
0x140: {  	[tilespmem:s20+$0x1800] =	vst v4  }
0x141: {  	[tilespmem:s20+$0x1810] =	vst v4  }
0x142: {  	[tilespmem:s20+$0x1820] =	vst v4  }
0x143: {  	[tilespmem:s20+$0x1830] =	vst v4  }
0x144: {  	[tilespmem:s20+$0x1840] =	vst v4  }
0x145: {  	[tilespmem:s20+$0x1850] =	vst v4  }
0x146: {  	[tilespmem:s20+$0x1860] =	vst v4  }
0x147: {  	[tilespmem:s20+$0x1870] =	vst v4  }
0x148: {  	[tilespmem:s20+$0x1C00] =	vst v4  }
0x149: {  	[tilespmem:s20+$0x1C10] =	vst v4  }
0x14a: {  	[tilespmem:s20+$0x1C20] =	vst v4  }
0x14b: {  	[tilespmem:s20+$0x1C30] =	vst v4  }
0x14c: {  	[tilespmem:s20+$0x1C40] =	vst v4  }
0x14d: {  	[tilespmem:s20+$0x1C50] =	vst v4  }
0x14e: {  	[tilespmem:s20+$0x1C60] =	vst v4  }
0x14f: {  	[tilespmem:s20+$0x10] =	vst v4  }
0x150: {  	s31 =	simm.s32 $0x400;
	s21 =	simm.s32 $0x80;
	[tilespmem:s20+$0x20] =	vst v4  }
0x151: {  	s22 =	simm.s32 $0x800;
	s23 =	sand.u32 $0xE000, s31;
	[tilespmem:s20+$0x30] =	vst v4;
	s24 =	sand.u32 $0x380, s21  }
.LBB2_6:
0x152: {  	p1 =	sne.s32 s22, $0x9C00;
	s23 =	sor.u32 s24, s23;
	[tilespmem:s20+$0x1C70] =	vst v4  }
0x153: {  	s20 =	sadd.s32 $0x12000, s23;
	[tilespmem:s23+$0x12000] =	vst v4  }
0x154: {  	[tilespmem:s20+$0x10] =	vst v4  }
0x155: {  	[tilespmem:s20+$0x20] =	vst v4  }
0x156: {  	[tilespmem:s20+$0x30] =	vst v4  }
0x157: {  	[tilespmem:s20+$0x40] =	vst v4  }
0x158: {  	[tilespmem:s20+$0x50] =	vst v4  }
0x159: {  	[tilespmem:s20+$0x60] =	vst v4  }
0x15a: {  	[tilespmem:s20+$0x70] =	vst v4  }
0x15b: {  	[tilespmem:s20+$0x400] =	vst v4  }
0x15c: {  	[tilespmem:s20+$0x410] =	vst v4  }
0x15d: {  	[tilespmem:s20+$0x420] =	vst v4  }
0x15e: {  	[tilespmem:s20+$0x430] =	vst v4  }
0x15f: {  	[tilespmem:s20+$0x440] =	vst v4  }
0x160: {  	[tilespmem:s20+$0x450] =	vst v4  }
0x161: {  	[tilespmem:s20+$0x460] =	vst v4  }
0x162: {  	[tilespmem:s20+$0x470] =	vst v4  }
0x163: {  	[tilespmem:s20+$0x800] =	vst v4  }
0x164: {  	[tilespmem:s20+$0x810] =	vst v4  }
0x165: {  	[tilespmem:s20+$0x820] =	vst v4  }
0x166: {  	[tilespmem:s20+$0x830] =	vst v4  }
0x167: {  	[tilespmem:s20+$0x840] =	vst v4  }
0x168: {  	[tilespmem:s20+$0x850] =	vst v4  }
0x169: {  	[tilespmem:s20+$0x860] =	vst v4  }
0x16a: {  	[tilespmem:s20+$0x870] =	vst v4  }
0x16b: {  	[tilespmem:s20+$0xC00] =	vst v4  }
0x16c: {  	[tilespmem:s20+$0xC10] =	vst v4  }
0x16d: {  	[tilespmem:s20+$0xC20] =	vst v4  }
0x16e: {  	[tilespmem:s20+$0xC30] =	vst v4  }
0x16f: {  	[tilespmem:s20+$0xC40] =	vst v4  }
0x170: {  	[tilespmem:s20+$0xC50] =	vst v4  }
0x171: {  	[tilespmem:s20+$0xC60] =	vst v4  }
0x172: {  	[tilespmem:s20+$0xC70] =	vst v4  }
0x173: {  	[tilespmem:s20+$0x1000] =	vst v4  }
0x174: {  	[tilespmem:s20+$0x1010] =	vst v4  }
0x175: {  	[tilespmem:s20+$0x1020] =	vst v4  }
0x176: {  	[tilespmem:s20+$0x1030] =	vst v4  }
0x177: {  	[tilespmem:s20+$0x1040] =	vst v4  }
0x178: {  	[tilespmem:s20+$0x1050] =	vst v4  }
0x179: {  	[tilespmem:s20+$0x1060] =	vst v4  }
0x17a: {  	[tilespmem:s20+$0x1070] =	vst v4  }
0x17b: {  	[tilespmem:s20+$0x1400] =	vst v4  }
0x17c: {  	[tilespmem:s20+$0x1410] =	vst v4  }
0x17d: {  	[tilespmem:s20+$0x1420] =	vst v4  }
0x17e: {  	[tilespmem:s20+$0x1430] =	vst v4  }
0x17f: {  	[tilespmem:s20+$0x1440] =	vst v4  }
0x180: {  	[tilespmem:s20+$0x1450] =	vst v4  }
0x181: {  	[tilespmem:s20+$0x1460] =	vst v4  }
0x182: {  	[tilespmem:s20+$0x1470] =	vst v4  }
0x183: {  	[tilespmem:s20+$0x1800] =	vst v4  }
0x184: {  	[tilespmem:s20+$0x1810] =	vst v4  }
0x185: {  	[tilespmem:s20+$0x1820] =	vst v4  }
0x186: {  	[tilespmem:s20+$0x1830] =	vst v4  }
0x187: {  	[tilespmem:s20+$0x1840] =	vst v4  }
0x188: {  	[tilespmem:s20+$0x1850] =	vst v4  }
0x189: {  	[tilespmem:s20+$0x1860] =	vst v4  }
0x18a: {  	[tilespmem:s20+$0x1870] =	vst v4  }
0x18b: {  	[tilespmem:s20+$0x1C00] =	vst v4  }
0x18c: {  	[tilespmem:s20+$0x1C10] =	vst v4  }
.Ltmp4:
0x18d: {  	[tilespmem:s20+$0x1C20] =	vst v4;
	(pc) =	sbr.rel @p1 .LBB2_6-.Ltmp4, $4  }
0x18e: {  	[tilespmem:s20+$0x1C30] =	vst v4  }
0x18f: {  	[tilespmem:s20+$0x1C40] =	vst v4  }
0x190: {  	s21 =	sadd.s32 $0x80, s21;
	[tilespmem:s20+$0x1C50] =	vst v4  }
0x191: {  	s23 =	sand.u32 $0xE000, s22;
	s24 =	sand.u32 $0x380, s21;
	s22 =	sadd.s32 $0x400, s22;
	[tilespmem:s20+$0x1C60] =	vst v4  }
0x192: {  	s21 =	sor.u32 s24, s23;
	[tilespmem:s20+$0x1C70] =	vst v4  }
0x193: {  	s29 =	sadd.s32 $0x12000, s21;
	[tilespmem:s21+$0x12000] =	vst v4  }
0x194: {  	[tilespmem:s29+$0x10] =	vst v4  }
0x195: {  	[tilespmem:s29+$0x20] =	vst v4  }
0x196: {  	[tilespmem:s29+$0x30] =	vst v4  }
0x197: {  	[tilespmem:s29+$0x40] =	vst v4  }
0x198: {  	[tilespmem:s29+$0x50] =	vst v4  }
0x199: {  	[tilespmem:s29+$0x60] =	vst v4  }
0x19a: {  	[tilespmem:s29+$0x70] =	vst v4  }
0x19b: {  	[tilespmem:s29+$0x400] =	vst v4  }
0x19c: {  	[tilespmem:s29+$0x410] =	vst v4  }
0x19d: {  	[tilespmem:s29+$0x420] =	vst v4  }
0x19e: {  	[tilespmem:s29+$0x430] =	vst v4  }
0x19f: {  	[tilespmem:s29+$0x440] =	vst v4  }
0x1a0: {  	[tilespmem:s29+$0x450] =	vst v4  }
0x1a1: {  	[tilespmem:s29+$0x460] =	vst v4  }
0x1a2: {  	[tilespmem:s29+$0x470] =	vst v4  }
0x1a3: {  	[tilespmem:s29+$0x800] =	vst v4  }
0x1a4: {  	[tilespmem:s29+$0x810] =	vst v4  }
0x1a5: {  	[tilespmem:s29+$0x820] =	vst v4  }
0x1a6: {  	[tilespmem:s29+$0x830] =	vst v4  }
0x1a7: {  	[tilespmem:s29+$0x840] =	vst v4  }
0x1a8: {  	[tilespmem:s29+$0x850] =	vst v4  }
0x1a9: {  	[tilespmem:s29+$0x860] =	vst v4  }
0x1aa: {  	[tilespmem:s29+$0x870] =	vst v4  }
0x1ab: {  	[tilespmem:s29+$0xC00] =	vst v4  }
0x1ac: {  	[tilespmem:s29+$0xC10] =	vst v4  }
0x1ad: {  	[tilespmem:s29+$0xC20] =	vst v4  }
0x1ae: {  	[tilespmem:s29+$0xC30] =	vst v4  }
0x1af: {  	[tilespmem:s29+$0xC40] =	vst v4  }
0x1b0: {  	[tilespmem:s29+$0xC50] =	vst v4  }
0x1b1: {  	[tilespmem:s29+$0xC60] =	vst v4  }
0x1b2: {  	[tilespmem:s29+$0xC70] =	vst v4  }
0x1b3: {  	[tilespmem:s29+$0x1000] =	vst v4  }
0x1b4: {  	[tilespmem:s29+$0x1010] =	vst v4  }
0x1b5: {  	[tilespmem:s29+$0x1020] =	vst v4  }
0x1b6: {  	[tilespmem:s29+$0x1030] =	vst v4  }
0x1b7: {  	[tilespmem:s29+$0x1040] =	vst v4  }
0x1b8: {  	[tilespmem:s29+$0x1050] =	vst v4  }
0x1b9: {  	[tilespmem:s29+$0x1060] =	vst v4  }
0x1ba: {  	[tilespmem:s29+$0x1070] =	vst v4  }
0x1bb: {  	[tilespmem:s29+$0x1400] =	vst v4  }
0x1bc: {  	[tilespmem:s29+$0x1410] =	vst v4  }
0x1bd: {  	[tilespmem:s29+$0x1420] =	vst v4  }
0x1be: {  	[tilespmem:s29+$0x1430] =	vst v4  }
0x1bf: {  	[tilespmem:s29+$0x1440] =	vst v4  }
0x1c0: {  	[tilespmem:s29+$0x1450] =	vst v4  }
0x1c1: {  	[tilespmem:s29+$0x1460] =	vst v4  }
0x1c2: {  	[tilespmem:s29+$0x1470] =	vst v4  }
0x1c3: {  	[tilespmem:s29+$0x1800] =	vst v4  }
0x1c4: {  	[tilespmem:s29+$0x1810] =	vst v4  }
0x1c5: {  	[tilespmem:s29+$0x1820] =	vst v4  }
0x1c6: {  	[tilespmem:s29+$0x1830] =	vst v4  }
0x1c7: {  	[tilespmem:s29+$0x1840] =	vst v4  }
0x1c8: {  	[tilespmem:s29+$0x1850] =	vst v4  }
0x1c9: {  	[tilespmem:s29+$0x1860] =	vst v4  }
0x1ca: {  	[tilespmem:s29+$0x1870] =	vst v4  }
0x1cb: {  	[tilespmem:s29+$0x1C00] =	vst v4  }
0x1cc: {  	[tilespmem:s29+$0x1C10] =	vst v4  }
0x1cd: {  	[tilespmem:s29+$0x1C20] =	vst v4  }
0x1ce: {  	[tilespmem:s29+$0x1C30] =	vst v4  }
0x1cf: {  	[tilespmem:s29+$0x1C40] =	vst v4  }
0x1d0: {  	s30 =	sand.u32 $0x1C00, s19;
	[tilespmem:s29+$0x1C50] =	vst v4  }
0x1d1: {  	s22 =	sand.u32 $0x70, s19;
	s21 =	sadd.s32 s30, s8;
	[tilespmem:s29+$0x1C60] =	vst v4  }
0x1d2: {  	[tilespmem:s29+$0x1C70] =	vst v4;
	s31 =	sadd.s32 s22, s21  }
0x1d3: {  	v7 =	vld [tilespmem:s31+$0x0];
	_ =	sdelay $0x4  }
0x1d4: {  	v7 =	vsub.s32 v7, v1  }
0x1d5: {  	vm0 =	vgt.s32 v7, $0x0  }
0x1d6: {  	v9 =	vmov s19;
	v8 =	vnsel vm0, $0x0, v7  }
0x1d7: {  	v10 =	vor.u32 s19, v5;
	v9 =	vshll.u32 v9, $0x3;
	v8 =	vmin.u32 v8, $0x27  }
0x1d8: {  	v10 =	vand.u32 $0x7F, v10;
	v9 =	vand.u32 $0x1C00, v9;
	v11 =	vshll.u32 v8, $0xA  }
0x1d9: {  	v9 =	vor.u32 v9, v10;
	v8 =	vshll.u32 v8, $0x7;
	v11 =	vand.u32 $0xE000, v11  }
0x1da: {  	vm0 =	vlt.u32 v7, $0x28;
	v8 =	vand.u32 $0x380, v8;
	v9 =	vor.u32 v11, v9  }
0x1db: {  	v7 =	vor.u32 v8, v9;
	_ =	sdelay $0x1  }
0x1dc: {  	s20 =	simm.s32 $0x80  }
0x1dd: {  	s19 =	simm.s32 $0x10;
	s22 =	sand.u32 $0x1C00, s20;
	s21 =	simm.s32 $0x20  }
.LBB2_8:
0x1de: {  	p1 =	sne.s32 s21, $0x3F0;
	s23 =	sand.u32 $0x70, s19;
	s22 =	sadd.s32 s22, s8  }
0x1df: {  	s22 =	sadd.s32 s23, s22;
	[tilespmem:v7+s16+$0x0] =	vst.idx.msk vm0, v6  }
0x1e0: {  	v7 =	vld [tilespmem:s22+$0x0];
	_ =	sdelay $0x4  }
0x1e1: {  	v7 =	vsub.s32 v7, v1  }
0x1e2: {  	vm0 =	vgt.s32 v7, $0x0  }
0x1e3: {  	v9 =	vmov s19;
	v8 =	vnsel vm0, $0x0, v7  }
0x1e4: {  	v10 =	vor.u32 s19, v5;
	s19 =	smov.u32 s21;
	v9 =	vshll.u32 v9, $0x3;
	v8 =	vmin.u32 v8, $0x27  }
0x1e5: {  	v10 =	vand.u32 $0x7F, v10;
	v9 =	vand.u32 $0x1C00, v9;
	v11 =	vshll.u32 v8, $0xA  }
0x1e6: {  	v9 =	vor.u32 v9, v10;
	v8 =	vshll.u32 v8, $0x7;
	v11 =	vand.u32 $0xE000, v11  }
.Ltmp5:
0x1e7: {  	vm0 =	vlt.u32 v7, $0x28;
	v7 =	vand.u32 $0x380, v8;
	v8 =	vor.u32 v11, v9;
	(pc) =	sbr.rel @p1 .LBB2_8-.Ltmp5, $3  }
0x1e8: {  	v7 =	vor.u32 v7, v8;
	_ =	sdelay $0x1  }
0x1e9: {  	s20 =	sadd.s32 $0x80, s20  }
0x1ea: {  	s21 =	sadd.s32 $0x10, s21;
	s22 =	sand.u32 $0x1C00, s20  }
0x1eb: {  	_ =	sdelay $0x3  }
0x1ec: {  	s20 =	sand.u32 $0x70, s19;
	s21 =	sadd.s32 s22, s8  }
0x1ed: {  	[tilespmem:v7+s16+$0x0] =	vst.idx.msk vm0, v6;
	s20 =	sadd.s32 s20, s21  }
0x1ee: {  	v7 =	vld [tilespmem:s20+$0x0];
	_ =	sdelay $0x4  }
0x1ef: {  	v7 =	vsub.s32 v7, v1  }
0x1f0: {  	vm14 =	vgt.s32 v7, $0x0  }
0x1f1: {  	v9 =	vmov s19;
	v8 =	vnsel vm14, $0x0, v7  }
0x1f2: {  	v10 =	vor.u32 s19, v5;
	v9 =	vshll.u32 v9, $0x3;
	v8 =	vmin.u32 v8, $0x27  }
0x1f3: {  	v10 =	vand.u32 $0x7F, v10;
	v9 =	vand.u32 $0x1C00, v9;
	v11 =	vshll.u32 v8, $0xA  }
0x1f4: {  	v9 =	vor.u32 v9, v10;
	v8 =	vshll.u32 v8, $0x7;
	v11 =	vand.u32 $0xE000, v11  }
0x1f5: {  	vm15 =	vlt.u32 v7, $0x28;
	v7 =	vand.u32 $0x380, v8;
	v8 =	vor.u32 v11, v9  }
0x1f6: {  	v7 =	vor.u32 v7, v8;
	_ =	sdelay $0x4  }
0x1f7: {  	s19 =	simm.s32 $0x1;
	[tilespmem:v7+s16+$0x0] =	vst.idx.msk vm15, v6  }
0x1f8: {  	[hbm4b:s9+s5] =	stream.linear.scatter [tilespmem:s16], [sflag:$0x2], $0xA000, $0x38;
	[tilespmem:$0x1C000] =	vst v63  }
.LBB2_10:
0x1f9: {  	s20 =	sshll.u32 s19, $0x1  }
0x1fa: {  	s20 =	sadd.s32 s2, s20  }
0x1fb: {  	s22 =	sadd.s32 $0xFFFFFFFE, s20  }
0x1fc: {  	s23 =	smul.u32 $0xA3D8, s22;
	_ =	sdelay $0x1  }
0x1fd: {  	_ =	swait.ge [sflag:s14], $0xA000;
	s21 =	sshrl.u32 s23, $0xA;
	s24 =	sshrl.u32 s23, $0xD  }
0x1fe: {  	s25 =	simm.s32 $0x0;
	s21 =	sand.u32 $0x1FE000, s21;
	s24 =	sand.u32 $0x380, s24  }
0x1ff: {  	[sflag:s14] =	ssyncset.done $0x0;
	s31 =	sand.u32 $0x1C00, s25;
	s21 =	sor.u32 s24, s21  }
0x200: {  	s26 =	sand.u32 $0x70, s25;
	s23 =	sshrl.u32 s23, $0x14;
	s24 =	sadd.s32 s31, s21  }
0x201: {  	[sflag:s14] =	ssyncadd.s32 $0xFFFF6000;
	s23 =	smul.u32 $0xFFFFFFE7, s23;
	s24 =	sadd.s32 s26, s24  }
0x202: {  	v8 =	vld [tilespmem:s24+$0x0]  }
0x203: {  	s22 =	sadd.s32 s22, s23  }
0x204: {  	s22 =	smul.u32 $0xFFFFFFD8, s22;
	_ =	sdelay $0x1  }
0x205: {  	v7 =	vmov s22  }
0x206: {  	v8 =	vadd.s32 v7, v8  }
0x207: {  	vm0 =	vgt.s32 v8, $0x0  }
0x208: {  	v10 =	vmov s25;
	v9 =	vnsel vm0, $0x0, v8  }
0x209: {  	v11 =	vor.u32 s25, v5;
	v10 =	vshll.u32 v10, $0x3;
	v9 =	vmin.u32 v9, $0x27  }
0x20a: {  	v11 =	vand.u32 $0x7F, v11;
	v10 =	vand.u32 $0x1C00, v10;
	v12 =	vshll.u32 v9, $0xA  }
0x20b: {  	v10 =	vor.u32 v10, v11;
	v9 =	vshll.u32 v9, $0x7;
	v12 =	vand.u32 $0xE000, v12  }
0x20c: {  	vm0 =	vlt.u32 v8, $0x28;
	v9 =	vand.u32 $0x380, v9;
	v10 =	vor.u32 v12, v10  }
0x20d: {  	v8 =	vor.u32 v9, v10;
	_ =	sdelay $0x1  }
0x20e: {  	s23 =	simm.s32 $0x80  }
0x20f: {  	s25 =	sand.u32 $0x1C00, s23;
	s24 =	simm.s32 $0x20;
	s22 =	simm.s32 $0x10  }
.LBB2_11:
0x210: {  	p1 =	sne.s32 s24, $0x3F0;
	s26 =	sand.u32 $0x70, s22;
	s25 =	sadd.s32 s25, s21  }
0x211: {  	s25 =	sadd.s32 s26, s25;
	[tilespmem:v8+s15+$0x0] =	vst.idx.msk vm0, v4  }
0x212: {  	v8 =	vld [tilespmem:s25+$0x0];
	_ =	sdelay $0x4  }
0x213: {  	v8 =	vadd.s32 v7, v8  }
0x214: {  	vm0 =	vgt.s32 v8, $0x0  }
0x215: {  	v10 =	vmov s22;
	v9 =	vnsel vm0, $0x0, v8  }
0x216: {  	v11 =	vor.u32 s22, v5;
	s22 =	smov.u32 s24;
	v10 =	vshll.u32 v10, $0x3;
	v9 =	vmin.u32 v9, $0x27  }
0x217: {  	v11 =	vand.u32 $0x7F, v11;
	v10 =	vand.u32 $0x1C00, v10;
	v12 =	vshll.u32 v9, $0xA  }
0x218: {  	v10 =	vor.u32 v10, v11;
	v9 =	vshll.u32 v9, $0x7;
	v12 =	vand.u32 $0xE000, v12  }
.Ltmp6:
0x219: {  	vm0 =	vlt.u32 v8, $0x28;
	v8 =	vand.u32 $0x380, v9;
	v9 =	vor.u32 v12, v10;
	(pc) =	sbr.rel @p1 .LBB2_11-.Ltmp6, $3  }
0x21a: {  	v8 =	vor.u32 v8, v9;
	_ =	sdelay $0x1  }
0x21b: {  	s23 =	sadd.s32 $0x80, s23  }
0x21c: {  	s24 =	sadd.s32 $0x10, s24;
	s25 =	sand.u32 $0x1C00, s23  }
0x21d: {  	_ =	sdelay $0x3  }
0x21e: {  	s23 =	sand.u32 $0x70, s22;
	s21 =	sadd.s32 s25, s21  }
0x21f: {  	[tilespmem:v8+s15+$0x0] =	vst.idx.msk vm0, v4;
	s21 =	sadd.s32 s23, s21  }
0x220: {  	v8 =	vld [tilespmem:s21+$0x0];
	_ =	sdelay $0x4  }
0x221: {  	v7 =	vadd.s32 v7, v8  }
0x222: {  	vm0 =	vgt.s32 v7, $0x0  }
0x223: {  	v9 =	vmov s22;
	v8 =	vnsel vm0, $0x0, v7  }
0x224: {  	v10 =	vor.u32 s22, v5;
	v9 =	vshll.u32 v9, $0x3;
	v8 =	vmin.u32 v8, $0x27  }
0x225: {  	v10 =	vand.u32 $0x7F, v10;
	v9 =	vand.u32 $0x1C00, v9;
	v11 =	vshll.u32 v8, $0xA  }
0x226: {  	v9 =	vor.u32 v9, v10;
	v8 =	vshll.u32 v8, $0x7;
	v11 =	vand.u32 $0xE000, v11  }
0x227: {  	s31 =	smul.u32 $0xA3D8, s20;
	vm0 =	vlt.u32 v7, $0x28;
	v7 =	vand.u32 $0x380, v8;
	v8 =	vor.u32 v11, v9  }
0x228: {  	v7 =	vor.u32 v7, v8  }
0x229: {  	s25 =	sshrl.u32 s31, $0xA;
	s26 =	sshrl.u32 s31, $0xD  }
0x22a: {  	s24 =	simm.s32 $0x0;
	s22 =	sand.u32 $0x1FE000, s25;
	s23 =	sand.u32 $0x380, s26  }
0x22b: {  	s29 =	sand.u32 $0x1C00, s24;
	s23 =	sor.u32 s23, s22  }
0x22c: {  	s30 =	sand.u32 $0x70, s24;
	s21 =	sshrl.u32 s31, $0x14;
	s22 =	sadd.s32 s29, s23  }
0x22d: {  	s26 =	smul.u32 $0xFFFFFFE7, s21;
	s22 =	sadd.s32 s30, s22;
	[tilespmem:v7+s15+$0x0] =	vst.idx.msk vm0, v4  }
0x22e: {  	v8 =	vld [tilespmem:s22+$0x0]  }
0x22f: {  	s31 =	sadd.s32 s20, s26  }
0x230: {  	s22 =	smul.u32 $0x28, s31;
	_ =	sdelay $0x1  }
0x231: {  	v7 =	vmov s22  }
0x232: {  	v8 =	vsub.s32 v8, v7  }
0x233: {  	vm0 =	vgt.s32 v8, $0x0  }
0x234: {  	v10 =	vmov s24;
	v9 =	vnsel vm0, $0x0, v8  }
0x235: {  	v10 =	vshll.u32 v10, $0x3;
	v11 =	vor.u32 s24, v5;
	v9 =	vmin.u32 v9, $0x27  }
0x236: {  	v10 =	vand.u32 $0x1C00, v10;
	v11 =	vand.u32 $0x7F, v11;
	v12 =	vshll.u32 v9, $0xA  }
0x237: {  	v10 =	vor.u32 v10, v11;
	v9 =	vshll.u32 v9, $0x7;
	v12 =	vand.u32 $0xE000, v12  }
0x238: {  	vm0 =	vlt.u32 v8, $0x28;
	v9 =	vand.u32 $0x380, v9;
	v10 =	vor.u32 v12, v10  }
0x239: {  	v8 =	vor.u32 v9, v10;
	_ =	sdelay $0x1  }
0x23a: {  	s25 =	simm.s32 $0x80  }
0x23b: {  	s28 =	sand.u32 $0x1C00, s25;
	s26 =	simm.s32 $0x20;
	s24 =	simm.s32 $0x10  }
.LBB2_13:
0x23c: {  	p1 =	sne.s32 s26, $0x3F0;
	s29 =	sand.u32 $0x70, s24;
	s28 =	sadd.s32 s28, s23  }
0x23d: {  	s28 =	sadd.s32 s29, s28;
	[tilespmem:v8+s15+$0x0] =	vst.idx.msk vm0, v6  }
0x23e: {  	v8 =	vld [tilespmem:s28+$0x0];
	_ =	sdelay $0x4  }
0x23f: {  	v8 =	vsub.s32 v8, v7  }
0x240: {  	vm0 =	vgt.s32 v8, $0x0  }
0x241: {  	v10 =	vmov s24;
	v9 =	vnsel vm0, $0x0, v8  }
0x242: {  	v11 =	vor.u32 s24, v5;
	s24 =	smov.u32 s26;
	v10 =	vshll.u32 v10, $0x3;
	v9 =	vmin.u32 v9, $0x27  }
0x243: {  	v11 =	vand.u32 $0x7F, v11;
	v10 =	vand.u32 $0x1C00, v10;
	v12 =	vshll.u32 v9, $0xA  }
0x244: {  	v10 =	vor.u32 v10, v11;
	v9 =	vshll.u32 v9, $0x7;
	v12 =	vand.u32 $0xE000, v12  }
.Ltmp7:
0x245: {  	vm0 =	vlt.u32 v8, $0x28;
	v8 =	vand.u32 $0x380, v9;
	v9 =	vor.u32 v12, v10;
	(pc) =	sbr.rel @p1 .LBB2_13-.Ltmp7, $3  }
0x246: {  	v8 =	vor.u32 v8, v9;
	_ =	sdelay $0x1  }
0x247: {  	s25 =	sadd.s32 $0x80, s25  }
0x248: {  	s26 =	sadd.s32 $0x10, s26;
	s28 =	sand.u32 $0x1C00, s25  }
0x249: {  	_ =	sdelay $0x3  }
0x24a: {  	s25 =	sand.u32 $0x70, s24;
	s23 =	sadd.s32 s28, s23  }
0x24b: {  	[tilespmem:v8+s15+$0x0] =	vst.idx.msk vm0, v6;
	s23 =	sadd.s32 s25, s23  }
0x24c: {  	v8 =	vld [tilespmem:s23+$0x0];
	_ =	sdelay $0x4  }
0x24d: {  	v7 =	vsub.s32 v8, v7  }
0x24e: {  	vm0 =	vgt.s32 v7, $0x0  }
0x24f: {  	v9 =	vmov s24;
	v8 =	vnsel vm0, $0x0, v7  }
0x250: {  	v10 =	vor.u32 s24, v5;
	v9 =	vshll.u32 v9, $0x3;
	v8 =	vmin.u32 v8, $0x27  }
0x251: {  	v10 =	vand.u32 $0x7F, v10;
	v9 =	vand.u32 $0x1C00, v9;
	v11 =	vshll.u32 v8, $0xA  }
0x252: {  	v9 =	vor.u32 v9, v10;
	v8 =	vshll.u32 v8, $0x7;
	v11 =	vand.u32 $0xE000, v11  }
0x253: {  	vm0 =	vlt.u32 v7, $0x28;
	v7 =	vand.u32 $0x380, v8;
	v8 =	vor.u32 v11, v9  }
0x254: {  	s21 =	smul.u32 $0x3E8, s21;
	v7 =	vor.u32 v7, v8;
	_ =	sdelay $0x1  }
0x255: {  	s21 =	sadd.s32 s21, s22;
	s22 =	sadd.s32 $0xFFFFFFFF, s20  }
0x256: {  	s28 =	smul.u32 $0xA3D8, s22  }
0x257: {  	s23 =	simm.s32 $0x0;
	s21 =	sshll.u32 s21, $0x7  }
0x258: {  	s21 =	sadd.s32 s4, s21;
	s29 =	sshrl.u32 s28, $0xA;
	s30 =	sshrl.u32 s28, $0xD;
	[tilespmem:v7+s15+$0x0] =	vst.idx.msk vm0, v6  }
0x259: {  	[hbm4b:s21+s23] =	stream.linear.scatter [tilespmem:s15], [sflag:$0x1], $0xA000, $0x38;
	[tilespmem:$0x1C000] =	vst v63  }
0x25a: {  	s31 =	sand.u32 $0x1C00, s23;
	s25 =	sand.u32 $0x380, s30;
	s21 =	sand.u32 $0x1FE000, s29  }
0x25b: {  	s26 =	sand.u32 $0x70, s23;
	_ =	swait.ge [sflag:s17], $0xA000;
	s21 =	sor.u32 s25, s21  }
0x25c: {  	s24 =	sshrl.u32 s28, $0x14;
	[sflag:s17] =	ssyncset.done $0x0;
	s25 =	sadd.s32 s31, s21  }
0x25d: {  	s24 =	smul.u32 $0xFFFFFFE7, s24;
	[sflag:s17] =	ssyncadd.s32 $0xFFFF6000;
	s25 =	sadd.s32 s26, s25  }
0x25e: {  	v8 =	vld [tilespmem:s25+$0x0]  }
0x25f: {  	s22 =	sadd.s32 s22, s24  }
0x260: {  	s22 =	smul.u32 $0xFFFFFFD8, s22;
	_ =	sdelay $0x1  }
0x261: {  	v7 =	vmov s22  }
0x262: {  	v8 =	vadd.s32 v7, v8  }
0x263: {  	vm0 =	vgt.s32 v8, $0x0  }
0x264: {  	v10 =	vmov s23;
	v9 =	vnsel vm0, $0x0, v8  }
0x265: {  	v10 =	vshll.u32 v10, $0x3;
	v11 =	vor.u32 s23, v5;
	v9 =	vmin.u32 v9, $0x27  }
0x266: {  	v10 =	vand.u32 $0x1C00, v10;
	v11 =	vand.u32 $0x7F, v11;
	v12 =	vshll.u32 v9, $0xA  }
0x267: {  	v10 =	vor.u32 v10, v11;
	v9 =	vshll.u32 v9, $0x7;
	v12 =	vand.u32 $0xE000, v12  }
0x268: {  	vm0 =	vlt.u32 v8, $0x28;
	v9 =	vand.u32 $0x380, v9;
	v10 =	vor.u32 v12, v10  }
0x269: {  	v8 =	vor.u32 v9, v10;
	_ =	sdelay $0x1  }
0x26a: {  	s23 =	simm.s32 $0x80  }
0x26b: {  	s24 =	simm.s32 $0x20;
	s22 =	simm.s32 $0x10;
	s25 =	sand.u32 $0x1C00, s23  }
.LBB2_15:
0x26c: {  	p1 =	sne.s32 s24, $0x3F0;
	s26 =	sand.u32 $0x70, s22;
	s25 =	sadd.s32 s25, s21  }
0x26d: {  	s25 =	sadd.s32 s26, s25;
	[tilespmem:v8+s16+$0x0] =	vst.idx.msk vm0, v4  }
0x26e: {  	v8 =	vld [tilespmem:s25+$0x0];
	_ =	sdelay $0x4  }
0x26f: {  	v8 =	vadd.s32 v7, v8  }
0x270: {  	vm0 =	vgt.s32 v8, $0x0  }
0x271: {  	v10 =	vmov s22;
	v9 =	vnsel vm0, $0x0, v8  }
0x272: {  	v11 =	vor.u32 s22, v5;
	s22 =	smov.u32 s24;
	v10 =	vshll.u32 v10, $0x3;
	v9 =	vmin.u32 v9, $0x27  }
0x273: {  	v11 =	vand.u32 $0x7F, v11;
	v10 =	vand.u32 $0x1C00, v10;
	v12 =	vshll.u32 v9, $0xA  }
0x274: {  	v10 =	vor.u32 v10, v11;
	v9 =	vshll.u32 v9, $0x7;
	v12 =	vand.u32 $0xE000, v12  }
.Ltmp8:
0x275: {  	vm0 =	vlt.u32 v8, $0x28;
	v8 =	vand.u32 $0x380, v9;
	v9 =	vor.u32 v12, v10;
	(pc) =	sbr.rel @p1 .LBB2_15-.Ltmp8, $3  }
0x276: {  	v8 =	vor.u32 v8, v9;
	_ =	sdelay $0x1  }
0x277: {  	s23 =	sadd.s32 $0x80, s23  }
0x278: {  	s24 =	sadd.s32 $0x10, s24;
	s25 =	sand.u32 $0x1C00, s23  }
0x279: {  	_ =	sdelay $0x3  }
0x27a: {  	s23 =	sand.u32 $0x70, s22;
	s21 =	sadd.s32 s25, s21  }
0x27b: {  	[tilespmem:v8+s16+$0x0] =	vst.idx.msk vm0, v4;
	s21 =	sadd.s32 s23, s21  }
0x27c: {  	v8 =	vld [tilespmem:s21+$0x0];
	_ =	sdelay $0x4  }
0x27d: {  	v7 =	vadd.s32 v7, v8  }
0x27e: {  	vm0 =	vgt.s32 v7, $0x0  }
0x27f: {  	v9 =	vmov s22;
	v8 =	vnsel vm0, $0x0, v7  }
0x280: {  	v10 =	vor.u32 s22, v5;
	v9 =	vshll.u32 v9, $0x3;
	v8 =	vmin.u32 v8, $0x27  }
0x281: {  	v10 =	vand.u32 $0x7F, v10;
	v9 =	vand.u32 $0x1C00, v9;
	v11 =	vshll.u32 v8, $0xA  }
0x282: {  	s21 =	sadd.s32 $0x1, s20;
	v9 =	vor.u32 v9, v10;
	v8 =	vshll.u32 v8, $0x7;
	v11 =	vand.u32 $0xE000, v11  }
0x283: {  	s20 =	smul.u32 $0xA3D8, s21;
	vm0 =	vlt.u32 v7, $0x28;
	v7 =	vand.u32 $0x380, v8;
	v8 =	vor.u32 v11, v9  }
0x284: {  	v7 =	vor.u32 v7, v8  }
0x285: {  	s28 =	sshrl.u32 s20, $0xA;
	s29 =	sshrl.u32 s20, $0xD  }
0x286: {  	s24 =	simm.s32 $0x0;
	s22 =	sand.u32 $0x1FE000, s28;
	s23 =	sand.u32 $0x380, s29  }
0x287: {  	s30 =	sand.u32 $0x1C00, s24;
	s22 =	sor.u32 s23, s22  }
0x288: {  	s31 =	sand.u32 $0x70, s24;
	s20 =	sshrl.u32 s20, $0x14;
	s23 =	sadd.s32 s30, s22  }
0x289: {  	s26 =	smul.u32 $0xFFFFFFE7, s20;
	s23 =	sadd.s32 s31, s23;
	[tilespmem:v7+s16+$0x0] =	vst.idx.msk vm0, v4  }
0x28a: {  	v8 =	vld [tilespmem:s23+$0x0]  }
0x28b: {  	s21 =	sadd.s32 s21, s26  }
0x28c: {  	s21 =	smul.u32 $0x28, s21;
	_ =	sdelay $0x1  }
0x28d: {  	v7 =	vmov s21  }
0x28e: {  	v8 =	vsub.s32 v8, v7  }
0x28f: {  	vm0 =	vgt.s32 v8, $0x0  }
0x290: {  	v10 =	vmov s24;
	v9 =	vnsel vm0, $0x0, v8  }
0x291: {  	v10 =	vshll.u32 v10, $0x3;
	v11 =	vor.u32 s24, v5;
	v9 =	vmin.u32 v9, $0x27  }
0x292: {  	v10 =	vand.u32 $0x1C00, v10;
	v11 =	vand.u32 $0x7F, v11;
	v12 =	vshll.u32 v9, $0xA  }
0x293: {  	v10 =	vor.u32 v10, v11;
	v9 =	vshll.u32 v9, $0x7;
	v12 =	vand.u32 $0xE000, v12  }
0x294: {  	vm0 =	vlt.u32 v8, $0x28;
	v9 =	vand.u32 $0x380, v9;
	v10 =	vor.u32 v12, v10  }
0x295: {  	v8 =	vor.u32 v9, v10;
	_ =	sdelay $0x1  }
0x296: {  	s24 =	simm.s32 $0x80  }
0x297: {  	s25 =	simm.s32 $0x20;
	s26 =	sand.u32 $0x1C00, s24;
	s23 =	simm.s32 $0x10  }
.LBB2_17:
0x298: {  	p1 =	sne.s32 s25, $0x3F0;
	s28 =	sand.u32 $0x70, s23;
	s26 =	sadd.s32 s26, s22  }
0x299: {  	s26 =	sadd.s32 s28, s26;
	[tilespmem:v8+s16+$0x0] =	vst.idx.msk vm0, v6  }
0x29a: {  	v8 =	vld [tilespmem:s26+$0x0];
	_ =	sdelay $0x4  }
0x29b: {  	v8 =	vsub.s32 v8, v7  }
0x29c: {  	vm0 =	vgt.s32 v8, $0x0  }
0x29d: {  	v10 =	vmov s23;
	v9 =	vnsel vm0, $0x0, v8  }
0x29e: {  	v11 =	vor.u32 s23, v5;
	s23 =	smov.u32 s25;
	v10 =	vshll.u32 v10, $0x3;
	v9 =	vmin.u32 v9, $0x27  }
0x29f: {  	v11 =	vand.u32 $0x7F, v11;
	v10 =	vand.u32 $0x1C00, v10;
	v12 =	vshll.u32 v9, $0xA  }
0x2a0: {  	v10 =	vor.u32 v10, v11;
	v9 =	vshll.u32 v9, $0x7;
	v12 =	vand.u32 $0xE000, v12  }
.Ltmp9:
0x2a1: {  	vm0 =	vlt.u32 v8, $0x28;
	v8 =	vand.u32 $0x380, v9;
	v9 =	vor.u32 v12, v10;
	(pc) =	sbr.rel @p1 .LBB2_17-.Ltmp9, $3  }
0x2a2: {  	v8 =	vor.u32 v8, v9;
	_ =	sdelay $0x1  }
0x2a3: {  	s24 =	sadd.s32 $0x80, s24  }
0x2a4: {  	s25 =	sadd.s32 $0x10, s25;
	s26 =	sand.u32 $0x1C00, s24  }
0x2a5: {  	_ =	sdelay $0x3  }
0x2a6: {  	s24 =	sand.u32 $0x70, s23;
	s22 =	sadd.s32 s26, s22  }
0x2a7: {  	[tilespmem:v8+s16+$0x0] =	vst.idx.msk vm0, v6;
	s22 =	sadd.s32 s24, s22  }
0x2a8: {  	v8 =	vld [tilespmem:s22+$0x0];
	_ =	sdelay $0x4  }
0x2a9: {  	v7 =	vsub.s32 v8, v7  }
0x2aa: {  	vm14 =	vgt.s32 v7, $0x0  }
0x2ab: {  	v9 =	vmov s23;
	v8 =	vnsel vm14, $0x0, v7  }
0x2ac: {  	v10 =	vor.u32 s23, v5;
	v9 =	vshll.u32 v9, $0x3;
	v8 =	vmin.u32 v8, $0x27  }
0x2ad: {  	v10 =	vand.u32 $0x7F, v10;
	v9 =	vand.u32 $0x1C00, v9;
	v11 =	vshll.u32 v8, $0xA  }
0x2ae: {  	v9 =	vor.u32 v9, v10;
	v8 =	vshll.u32 v8, $0x7;
	v11 =	vand.u32 $0xE000, v11  }
0x2af: {  	vm15 =	vlt.u32 v7, $0x28;
	v7 =	vand.u32 $0x380, v8;
	v8 =	vor.u32 v11, v9  }
0x2b0: {  	s19 =	sadd.s32 $0x1, s19;
	v7 =	vor.u32 v7, v8  }
0x2b1: {  	s20 =	smul.u32 $0x3E8, s20;
	p1 =	sne.s32 s19, $0xA  }
.Ltmp10:
0x2b2: {  	_ = 	snop;
	(pc) =	sbr.rel @p1 .LBB2_10-.Ltmp10, $4  }
0x2b3: {  	s20 =	sadd.s32 s20, s21  }
0x2b4: {  	s20 =	sshll.u32 s20, $0x7  }
0x2b5: {  	s20 =	sadd.s32 s4, s20;
	[tilespmem:v7+s16+$0x0] =	vst.idx.msk vm15, v6  }
0x2b6: {  	[hbm4b:s20+s5] =	stream.linear.scatter [tilespmem:s16], [sflag:$0x2], $0xA000, $0x38;
	[tilespmem:$0x1C000] =	vst v63  }
.Ltmp11:
0x2b7: {  	(pc) =	sbr.rel @p0 .LBB2_25-.Ltmp11, $1  }
0x2b8: {  	_ =	sdelay $0x3  }
0x2b9: {  	s19 =	simm.s32 $0x0  }
0x2ba: {  	_ =	swait.ge [sflag:s14], $0xA000;
	s20 =	sand.u32 $0x1C00, s19  }
0x2bb: {  	[sflag:s14] =	ssyncset.done $0x0;
	s21 =	sand.u32 $0x70, s19;
	s22 =	sadd.s32 s20, s10  }
0x2bc: {  	[sflag:s14] =	ssyncadd.s32 $0xFFFF6000;
	s22 =	sadd.s32 s21, s22  }
0x2bd: {  	v7 =	vld [tilespmem:s22+$0x0];
	_ =	sdelay $0x4  }
0x2be: {  	v8 =	vadd.s32 v2, v7  }
0x2bf: {  	vm0 =	vgt.s32 v8, $0x0  }
0x2c0: {  	v9 =	vmov s19;
	v7 =	vnsel vm0, $0x0, v8  }
0x2c1: {  	v10 =	vor.u32 s19, v5;
	v9 =	vshll.u32 v9, $0x3;
	v7 =	vmin.u32 v7, $0x27  }
0x2c2: {  	v10 =	vand.u32 $0x7F, v10;
	v9 =	vand.u32 $0x1C00, v9;
	v11 =	vshll.u32 v7, $0xA  }
0x2c3: {  	v12 =	vshll.u32 v7, $0x7;
	v7 =	vor.u32 v9, v10;
	v11 =	vand.u32 $0xE000, v11  }
0x2c4: {  	vm0 =	vlt.u32 v8, $0x28;
	v9 =	vand.u32 $0x380, v12;
	v10 =	vor.u32 v11, v7  }
0x2c5: {  	v8 =	vor.u32 v9, v10;
	_ =	sdelay $0x1  }
0x2c6: {  	s23 =	simm.s32 $0x80;
	s24 =	simm.s32 $0x20  }
0x2c7: {  	s19 =	simm.s32 $0x10;
	s25 =	sand.u32 $0x1C00, s23;
	s22 =	simm.s32 $0x10  }
.LBB2_21:
0x2c8: {  	p1 =	sne.s32 s24, $0x3F0;
	s26 =	sand.u32 $0x70, s22;
	s25 =	sadd.s32 s25, s10  }
0x2c9: {  	s25 =	sadd.s32 s26, s25;
	[tilespmem:v8+s15+$0x0] =	vst.idx.msk vm0, v4  }
0x2ca: {  	v8 =	vld [tilespmem:s25+$0x0];
	_ =	sdelay $0x4  }
0x2cb: {  	v8 =	vadd.s32 v2, v8  }
0x2cc: {  	vm0 =	vgt.s32 v8, $0x0  }
0x2cd: {  	v10 =	vmov s22;
	v9 =	vnsel vm0, $0x0, v8  }
0x2ce: {  	v11 =	vor.u32 s22, v5;
	s22 =	smov.u32 s24;
	v10 =	vshll.u32 v10, $0x3;
	v9 =	vmin.u32 v9, $0x27  }
0x2cf: {  	v11 =	vand.u32 $0x7F, v11;
	v10 =	vand.u32 $0x1C00, v10;
	v12 =	vshll.u32 v9, $0xA  }
0x2d0: {  	v10 =	vor.u32 v10, v11;
	v9 =	vshll.u32 v9, $0x7;
	v12 =	vand.u32 $0xE000, v12  }
.Ltmp12:
0x2d1: {  	vm0 =	vlt.u32 v8, $0x28;
	v8 =	vand.u32 $0x380, v9;
	v9 =	vor.u32 v12, v10;
	(pc) =	sbr.rel @p1 .LBB2_21-.Ltmp12, $3  }
0x2d2: {  	v8 =	vor.u32 v8, v9;
	_ =	sdelay $0x1  }
0x2d3: {  	s23 =	sadd.s32 $0x80, s23  }
0x2d4: {  	s24 =	sadd.s32 $0x10, s24;
	s25 =	sand.u32 $0x1C00, s23  }
0x2d5: {  	_ =	sdelay $0x3  }
0x2d6: {  	s23 =	sand.u32 $0x70, s22;
	s24 =	sadd.s32 s25, s10  }
0x2d7: {  	[tilespmem:v8+s15+$0x0] =	vst.idx.msk vm0, v4;
	s23 =	sadd.s32 s23, s24  }
0x2d8: {  	v8 =	vld [tilespmem:s23+$0x0];
	_ =	sdelay $0x4  }
0x2d9: {  	v8 =	vadd.s32 v2, v8  }
0x2da: {  	vm0 =	vgt.s32 v8, $0x0  }
0x2db: {  	v10 =	vmov s22;
	v9 =	vnsel vm0, $0x0, v8  }
0x2dc: {  	v11 =	vor.u32 s22, v5;
	v10 =	vshll.u32 v10, $0x3;
	v9 =	vmin.u32 v9, $0x27  }
0x2dd: {  	v11 =	vand.u32 $0x7F, v11;
	v10 =	vand.u32 $0x1C00, v10;
	v12 =	vshll.u32 v9, $0xA  }
0x2de: {  	v10 =	vor.u32 v10, v11;
	v9 =	vshll.u32 v9, $0x7;
	v12 =	vand.u32 $0xE000, v12  }
0x2df: {  	vm0 =	vlt.u32 v8, $0x28;
	v8 =	vand.u32 $0x380, v9;
	v61 =	vor.u32 v12, v10  }
0x2e0: {  	v8 =	vor.u32 v8, v61;
	_ =	sdelay $0x3  }
0x2e1: {  	s20 =	sadd.s32 s20, s11  }
0x2e2: {  	s20 =	sadd.s32 s21, s20;
	[tilespmem:v8+s15+$0x0] =	vst.idx.msk vm0, v4  }
0x2e3: {  	v8 =	vld [tilespmem:s20+$0x0];
	_ =	sdelay $0x4  }
0x2e4: {  	v8 =	vsub.s32 v8, v3  }
0x2e5: {  	vm0 =	vgt.s32 v8, $0x0  }
0x2e6: {  	v62 =	vnsel vm0, $0x0, v8  }
0x2e7: {  	v9 =	vmin.u32 v62, $0x27  }
0x2e8: {  	v63 =	vshll.u32 v9, $0xA  }
0x2e9: {  	v9 =	vshll.u32 v9, $0x7;
	v10 =	vand.u32 $0xE000, v63  }
0x2ea: {  	vm0 =	vlt.u32 v8, $0x28;
	v9 =	vand.u32 $0x380, v9;
	v7 =	vor.u32 v10, v7  }
0x2eb: {  	v7 =	vor.u32 v9, v7;
	_ =	sdelay $0x1  }
0x2ec: {  	s20 =	simm.s32 $0x80  }
0x2ed: {  	s21 =	simm.s32 $0x20;
	s22 =	sand.u32 $0x1C00, s20  }
.LBB2_23:
0x2ee: {  	p1 =	sne.s32 s21, $0x3F0;
	s23 =	sand.u32 $0x70, s19;
	s22 =	sadd.s32 s22, s11  }
0x2ef: {  	s22 =	sadd.s32 s23, s22;
	[tilespmem:v7+s15+$0x0] =	vst.idx.msk vm0, v6  }
0x2f0: {  	v7 =	vld [tilespmem:s22+$0x0];
	_ =	sdelay $0x4  }
0x2f1: {  	v7 =	vsub.s32 v7, v3  }
0x2f2: {  	vm0 =	vgt.s32 v7, $0x0  }
0x2f3: {  	v9 =	vmov s19;
	v8 =	vnsel vm0, $0x0, v7  }
0x2f4: {  	v10 =	vor.u32 s19, v5;
	s19 =	smov.u32 s21;
	v9 =	vshll.u32 v9, $0x3;
	v8 =	vmin.u32 v8, $0x27  }
0x2f5: {  	v10 =	vand.u32 $0x7F, v10;
	v9 =	vand.u32 $0x1C00, v9;
	v11 =	vshll.u32 v8, $0xA  }
0x2f6: {  	v9 =	vor.u32 v9, v10;
	v8 =	vshll.u32 v8, $0x7;
	v11 =	vand.u32 $0xE000, v11  }
.Ltmp13:
0x2f7: {  	vm0 =	vlt.u32 v7, $0x28;
	v7 =	vand.u32 $0x380, v8;
	v8 =	vor.u32 v11, v9;
	(pc) =	sbr.rel @p1 .LBB2_23-.Ltmp13, $3  }
0x2f8: {  	v7 =	vor.u32 v7, v8;
	_ =	sdelay $0x1  }
0x2f9: {  	s20 =	sadd.s32 $0x80, s20  }
0x2fa: {  	s21 =	sadd.s32 $0x10, s21;
	s22 =	sand.u32 $0x1C00, s20  }
0x2fb: {  	_ =	sdelay $0x3  }
0x2fc: {  	s20 =	sand.u32 $0x70, s19;
	s21 =	sadd.s32 s22, s11  }
0x2fd: {  	[tilespmem:v7+s15+$0x0] =	vst.idx.msk vm0, v6;
	s20 =	sadd.s32 s20, s21  }
0x2fe: {  	v7 =	vld [tilespmem:s20+$0x0];
	_ =	sdelay $0x4  }
0x2ff: {  	v7 =	vsub.s32 v7, v3  }
0x300: {  	vm14 =	vgt.s32 v7, $0x0  }
0x301: {  	v9 =	vmov s19;
	v8 =	vnsel vm14, $0x0, v7  }
0x302: {  	v10 =	vor.u32 s19, v5;
	v9 =	vshll.u32 v9, $0x3;
	v8 =	vmin.u32 v8, $0x27  }
0x303: {  	v10 =	vand.u32 $0x7F, v10;
	v9 =	vand.u32 $0x1C00, v9;
	v11 =	vshll.u32 v8, $0xA  }
0x304: {  	v9 =	vor.u32 v9, v10;
	v8 =	vshll.u32 v8, $0x7;
	v11 =	vand.u32 $0xE000, v11  }
0x305: {  	vm15 =	vlt.u32 v7, $0x28;
	v7 =	vand.u32 $0x380, v8;
	v8 =	vor.u32 v11, v9  }
0x306: {  	v7 =	vor.u32 v7, v8;
	_ =	sdelay $0x1  }
.Ltmp14:
0x307: {  	_ = 	snop;
	(pc) =	sbr.rel .LBB2_25-.Ltmp14, $3  }
0x308: {  	_ =	sdelay $0x1  }
0x309: {  	[tilespmem:v7+s15+$0x0] =	vst.idx.msk vm15, v6  }
0x30a: {  	[hbm4b:s12+s5] =	stream.linear.scatter [tilespmem:s15], [sflag:$0x1], $0xA000, $0x38;
	[tilespmem:$0x1C000] =	vst v63  }
.LBB2_26:
0x30b: {  	_ =	sfence.sel $0x180000  }
0x30c: {  	[bflag:$0x0] =	sbarrier.arrive $0xFFFF  }
0x30d: {  	p0 =	sne.s32 s0, $0x0;
	_ =	strace $0x90000047  }
0x30e: {  	s0 =	sadd.s32 @!p0 $0x100000, s1;
	[bflag:$0x2] =	sbarrier.arrive $0xFFFF  }
0x30f: {  	[sflag:s0] =	ssyncadd.tile.s32 @!p0 $0x1;
	_ =	shalt  }
.Lfunc_end2:
_tile_overlayer_lowered:
.L_overlay_start_2:
0x310: {  	(tag) =	ssettag $0x2  }
0x311: {  	s0 =	rddreg [dreg:$0x0];
	s2 =	stileid.u32  }
0x312: {  	s1 =	rddreg [dreg:$0x1];
	p0 =	sne.s32 s2, $0x0  }
0x313: {  	s3 =	rddreg [dreg:$0x2];
	[bflag:$0x3] =	sbarrier.arrive $0xFFFF;
	s2 =	simm.s32 @!p0 $0x1C03  }
0x314: {  	[timem:s3], [sflag:s2] =	dma.local @!p0 [hbm:s0], s1  }
0x315: {  	s0 =	simm.s32 @!p0 $0x3  }
0x316: {  	_ =	swait.ge @!p0 [sflag:s0], s1  }
0x317: {  	s1 =	ssub.s32 @!p0 $0x0, s1;
	[sflag:s0] =	ssyncset.done @!p0 $0x0  }
0x318: {  	[sflag:s0] =	ssyncadd.s32 @!p0 s1  }
0x319: {  	[bflag:$0x3] =	sbarrier.arrive $0xFFFF  }
0x31a: {  	_ =	shalt  }

</sc_bundles>
